<compile_context>
chip_gen: v7x
topology: tpu7x:2x2x1
jax: 0.10.2.dev20260603
libtpu: 0.0.44.dev20260713+nightly
codegen_flags: <defaults>
</compile_context>

<pallas_src>
import functools

import jax
import jax.numpy as jnp
from jax import lax
from jax.experimental import pallas as pl
from jax.experimental.pallas import tpu as pltpu
from jax.experimental.pallas import tpu_sc as plsc

BATCH = 1024
VOCAB = 100000
PADDING_IDX = 0

NWORKERS = 32
LANES = 16
TCOL = 128
NTCOL = VOCAB // TCOL
TAIL = VOCAB - NTCOL * TCOL
COLS_BASE = NTCOL // NWORKERS
COLS_EXTRA = NTCOL % NWORKERS
ZROWS = 128
NSLOT = 4


def _sc_body(tgt_hbm, out_hbm, zbuf, ids_v, tmp_rows, tmp_ids, slots, tsl, zsem, ssem, tsem):
    wid = lax.axis_index("c") * (NWORKERS // 2) + lax.axis_index("s")
    tc0 = wid * COLS_BASE + lax.min(wid, COLS_EXTRA)
    ntc = COLS_BASE + jnp.where(wid < COLS_EXTRA, 1, 0)
    has_tail = wid == NWORKERS - 1
    lo = tc0 * TCOL
    hi = lo + ntc * TCOL

    zeros16 = jnp.zeros((LANES,), jnp.float32)
    lanes16 = lax.iota(jnp.int32, LANES)

    pltpu.sync_copy(tgt_hbm, ids_v)

    def _zero_init(i, carry):
        for j in range(TCOL // LANES):
            zbuf[i, pl.ds(j * LANES, LANES)] = zeros16
        return carry

    lax.fori_loop(0, ZROWS, _zero_init, 0)

    def _fire(i, carry):
        col = pl.multiple_of((tc0 + i) * TCOL, TCOL)
        for b in range(BATCH // ZROWS):
            pltpu.make_async_copy(
                zbuf,
                out_hbm.at[pl.ds(b * ZROWS, ZROWS), pl.ds(col, TCOL)],
                zsem,
            ).start()
        return carry

    lax.fori_loop(0, ntc, _fire, 0)


    def _drain(i, carry):
        for b in range(BATCH // ZROWS):
            pltpu.make_async_copy(
                zbuf,
                out_hbm.at[pl.ds(b * ZROWS, ZROWS), pl.ds(pl.multiple_of(tc0 * TCOL, TCOL), TCOL)],
                zsem,
            ).wait()
        return carry

    lax.fori_loop(0, ntc, _drain, 0)


    def _scan_chunk(c, carry):
        n_main, n_tail = carry
        ids_c = ids_v[pl.ds(c * LANES, LANES)]
        rows_c = c * LANES + lanes16
        m = (ids_c >= lo) & (ids_c < hi) & (ids_c != PADDING_IDX)
        cnt = lax.reduce_max(plsc.all_reduce_population_count(m), axes=(0,))
        plsc.store_compressed(tmp_rows.at[:], rows_c, mask=m)
        plsc.store_compressed(tmp_ids.at[:], ids_c, mask=m)
        rows_packed = tmp_rows[...]
        ids_packed = tmp_ids[...]

        def _one(k, inner):
            i_main, i_tail = inner
            b = lax.reduce_max(
                jnp.where(lanes16 == k, rows_packed, 0), axes=(0,)
            )
            v = lax.reduce_max(
                jnp.where(lanes16 == k, ids_packed, 0), axes=(0,)
            )
            onehot16 = jnp.where(
                lanes16 == lax.rem(v, LANES), 1.0, 0.0
            ).astype(jnp.float32)
            vblk = lax.rem(v // LANES, TCOL // LANES)
            is_tail = v >= NTCOL * TCOL

            def _main_strip():
                slot = lax.rem(i_main, NSLOT)

                @pl.when(i_main >= NSLOT)
                def _reuse_wait():
                    pltpu.make_async_copy(
                        slots.at[0], out_hbm.at[0, pl.ds(0, TCOL)], ssem
                    ).wait()

                def _fill(s):
                    for j in range(TCOL // LANES):
                        slots[s, pl.ds(j * LANES, LANES)] = jnp.where(
                            vblk == j, onehot16, zeros16
                        )
                    pltpu.make_async_copy(
                        slots.at[s],
                        out_hbm.at[
                            b, pl.ds(pl.multiple_of((v // TCOL) * TCOL, TCOL), TCOL)
                        ],
                        ssem,
                    ).start()

                lax.switch(slot, [lambda s=s: _fill(s) for s in range(NSLOT)])

            _main_strip()
            return (
                i_main + jnp.where(is_tail, 0, 1),
                i_tail + jnp.where(is_tail, 1, 0),
            )

        return lax.fori_loop(0, cnt, _one, (n_main, n_tail))

    n_main, n_tail = lax.fori_loop(
        0, BATCH // LANES, _scan_chunk, (jnp.int32(0), jnp.int32(0))
    )

    def _drain_main(k, carry):
        pltpu.make_async_copy(
            slots.at[0], out_hbm.at[0, pl.ds(0, TCOL)], ssem
        ).wait()
        return carry

    lax.fori_loop(0, lax.min(n_main, NSLOT), _drain_main, 0)


def _kernel_impl(tgt_token_ids_batch):
    tgt = tgt_token_ids_batch.astype(jnp.int32).reshape(BATCH)
    sc_kernel = functools.partial(
        pl.kernel,
        out_type=jax.ShapeDtypeStruct((BATCH, VOCAB), jnp.float32),
        mesh=plsc.VectorSubcoreMesh(core_axis_name="c", subcore_axis_name="s"),
        scratch_types=[
            pltpu.VMEM((ZROWS, TCOL), jnp.float32),
            pltpu.VMEM((BATCH,), jnp.int32),
            pltpu.VMEM((LANES,), jnp.int32),
            pltpu.VMEM((LANES,), jnp.int32),
            pltpu.VMEM((NSLOT, TCOL), jnp.float32),
            pltpu.VMEM((2, TAIL), jnp.float32),
            pltpu.SemaphoreType.DMA,
            pltpu.SemaphoreType.DMA,
            pltpu.SemaphoreType.DMA,
        ],
        compiler_params=pltpu.CompilerParams(
            needs_layout_passes=False,
            use_tc_tiling_on_sc=True,
        ),
    )(_sc_body)
    return sc_kernel(tgt)


_jitted = None


def kernel(tgt_token_ids_batch):
    global _jitted
    if _jitted is None:
        _jitted = jax.jit(_kernel_impl)
    return _jitted(tgt_token_ids_batch)

# --- scband reference (transcript-rebuilt; emitter-appended) ---
"""Pipeline reference for scband-one-hot-distribution-80444737454407 (READ-ONLY COPY).

The authoritative reference and input builder live on the scoring server;
editing this copy changes nothing except your own understanding.
"""

import jax, jax.numpy as jnp
import numpy as np

PADDING_IDX = 0
TRG_VOCAB_SIZE = 100000

def setup_inputs(seed: int = 0) -> dict:
    key = jax.random.key(seed)
    tgt = jax.random.randint(key, (1024, 1), 0, TRG_VOCAB_SIZE, dtype=jnp.int64 if jax.config.jax_enable_x64 else jnp.int32)
    return {"tgt_token_ids_batch": tgt}

def reference(tgt_token_ids_batch) -> jnp.ndarray:
    batch_size = tgt_token_ids_batch.shape[0]
    one_hot = jnp.zeros((batch_size, TRG_VOCAB_SIZE), dtype=jnp.float32)
    # torch scatter_(1, index, 1.0): write 1.0 at (row, index[row, j]) for each j
    rows = jnp.arange(batch_size)[:, None]
    one_hot = one_hot.at[rows, tgt_token_ids_batch].set(1.0)
    # masked_fill_(tgt == padding_idx, 0.0): mask [B,1] broadcasts over vocab dim,
    # zeroing entire rows whose token id equals padding_idx
    mask = (tgt_token_ids_batch == PADDING_IDX)
    one_hot = jnp.where(mask, 0.0, one_hot)
    return one_hot

if __name__ == "__main__":
    import jax
    _d = setup_inputs()
    print(jax.jit(kernel)(*tuple(_d.values())))

</pallas_src>

<mosaic_0001>
#map = affine_map<(d0, d1) -> (0)>
#map1 = affine_map<(d0, d1) -> (0, 0)>
module attributes {stable_mosaic.version = 14 : i64} {
  func.func @_sc_body(%arg0: i32, %arg1: i32, %arg2: memref<1024xi32, #tpu.memory_space<hbm>>, %arg3: memref<1024x100000xf32, #tpu.memory_space<hbm>>, %arg4: memref<128x128xf32, #tpu.memory_space<vmem>>, %arg5: memref<1024xi32, #tpu.memory_space<vmem>>, %arg6: memref<16xi32, #tpu.memory_space<vmem>>, %arg7: memref<16xi32, #tpu.memory_space<vmem>>, %arg8: memref<4x128xf32, #tpu.memory_space<vmem>>, %arg9: memref<2x32xf32, #tpu.memory_space<vmem>>, %arg10: memref<!tpu.dma_semaphore, #tpu.memory_space<semaphore_mem>>, %arg11: memref<!tpu.dma_semaphore, #tpu.memory_space<semaphore_mem>>, %arg12: memref<!tpu.dma_semaphore, #tpu.memory_space<semaphore_mem>>) attributes {dimension_semantics = [#tpu.dimension_semantics<core_parallel>, #tpu.dimension_semantics<subcore_parallel>], iteration_bounds = array<i64: 2, 16>, scalar_prefetch = 0 : i64, scratch_operands = 9 : i64, tpu.core_type = #tpu.core_type<sc_vector_subcore>, window_params = [{transform_indices = #map}, {transform_indices = #map1}]} {
    %mul3A = arith.constant 16 : i32
    %mul3A_0 = arith.muli %arg0, %mul3A : i32
    %add3A = arith.addi %mul3A_0, %arg1 : i32
    %mul3A_1 = arith.constant 24 : i32
    %mul3A_2 = arith.muli %add3A, %mul3A_1 : i32
    %min3A = arith.constant 13 : i32
    %min3A_3 = arith.minsi %add3A, %min3A : i32
    %add3A_4 = arith.addi %mul3A_2, %min3A_3 : i32
    %lt3A = arith.constant 13 : i32
    %lt3A_5 = arith.cmpi slt, %add3A, %lt3A : i32
    %jit3A = arith.constant 1 : i32
    %jit3A_6 = arith.constant 0 : i32
    %select_n3A = arith.select %lt3A_5, %jit3A, %jit3A_6 : i32
    %add3A_7 = arith.constant 24 : i32
    %add3A_8 = arith.addi %add3A_7, %select_n3A : i32
    %eq3A = arith.constant 31 : i32
    %eq3A_9 = arith.cmpi eq, %add3A, %eq3A : i32
    %mul3A_10 = arith.constant 128 : i32
    %mul3A_11 = arith.muli %add3A_4, %mul3A_10 : i32
    %mul3A_12 = arith.constant 128 : i32
    %mul3A_13 = arith.muli %add3A_8, %mul3A_12 : i32
    %add3A_14 = arith.addi %mul3A_11, %mul3A_13 : i32
    %broadcast_in_dim3A = arith.constant 0.000000e+00 : f32
    %broadcast_in_dim3A_15 = vector.broadcast %broadcast_in_dim3A : f32 to vector<16xf32>
    %iota3A = tpu.iota {dimensions = array<i32: 0>} : vector<16xi32>
    "tpu.region"() ({
      %run_scoped3A = tpu.sem_alloc : memref<!tpu.dma_semaphore, #tpu.memory_space<semaphore_mem>>
      tpu.enqueue_dma source(%arg2 : memref<1024xi32, #tpu.memory_space<hbm>>) target(%arg5 : memref<1024xi32, #tpu.memory_space<vmem>>) target_semaphore(%run_scoped3A : memref<!tpu.dma_semaphore, #tpu.memory_space<semaphore_mem>>)
      tpu.wait_dma2 semaphore(%run_scoped3A : memref<!tpu.dma_semaphore, #tpu.memory_space<semaphore_mem>>) src(%arg2 : memref<1024xi32, #tpu.memory_space<hbm>>) dst(%arg5 : memref<1024xi32, #tpu.memory_space<vmem>>)
      tpu.yield
    }) : () -> ()
    %scan3A = arith.constant 0 : i32
    %scan3A_16 = arith.constant 0 : i32
    %scan3A_17 = arith.constant 128 : i32
    %scan3A_18 = arith.addi %scan3A_16, %scan3A_17 : i32
    %scan3A_19 = arith.constant 1 : i32
    scf.for %scan3A_60 = %scan3A_16 to %scan3A_18 step %scan3A_19  : i32 {
      %swap3A = arith.index_cast %scan3A_60 : i32 to index
      %swap3A_61 = arith.constant 0 : index
      %swap3A_62 = tpu.vector_load %arg4[%swap3A, %swap3A_61] {strides = array<i32>} : memref<128x128xf32, #tpu.memory_space<vmem>>, vector<16xf32>,
      tpu.vector_store %arg4[%swap3A, %swap3A_61], %broadcast_in_dim3A_15 {strides = array<i32>} : memref<128x128xf32, #tpu.memory_space<vmem>>, vector<16xf32>,
      %swap3A_63 = arith.index_cast %scan3A_60 : i32 to index
      %swap3A_64 = arith.constant 16 : index
      %swap3A_65 = tpu.vector_load %arg4[%swap3A_63, %swap3A_64] {strides = array<i32>} : memref<128x128xf32, #tpu.memory_space<vmem>>, vector<16xf32>,
      tpu.vector_store %arg4[%swap3A_63, %swap3A_64], %broadcast_in_dim3A_15 {strides = array<i32>} : memref<128x128xf32, #tpu.memory_space<vmem>>, vector<16xf32>,
      %swap3A_66 = arith.index_cast %scan3A_60 : i32 to index
      %swap3A_67 = arith.constant 32 : index
      %swap3A_68 = tpu.vector_load %arg4[%swap3A_66, %swap3A_67] {strides = array<i32>} : memref<128x128xf32, #tpu.memory_space<vmem>>, vector<16xf32>,
      tpu.vector_store %arg4[%swap3A_66, %swap3A_67], %broadcast_in_dim3A_15 {strides = array<i32>} : memref<128x128xf32, #tpu.memory_space<vmem>>, vector<16xf32>,
      %swap3A_69 = arith.index_cast %scan3A_60 : i32 to index
      %swap3A_70 = arith.constant 48 : index
      %swap3A_71 = tpu.vector_load %arg4[%swap3A_69, %swap3A_70] {strides = array<i32>} : memref<128x128xf32, #tpu.memory_space<vmem>>, vector<16xf32>,
      tpu.vector_store %arg4[%swap3A_69, %swap3A_70], %broadcast_in_dim3A_15 {strides = array<i32>} : memref<128x128xf32, #tpu.memory_space<vmem>>, vector<16xf32>,
      %swap3A_72 = arith.index_cast %scan3A_60 : i32 to index
      %swap3A_73 = arith.constant 64 : index
      %swap3A_74 = tpu.vector_load %arg4[%swap3A_72, %swap3A_73] {strides = array<i32>} : memref<128x128xf32, #tpu.memory_space<vmem>>, vector<16xf32>,
      tpu.vector_store %arg4[%swap3A_72, %swap3A_73], %broadcast_in_dim3A_15 {strides = array<i32>} : memref<128x128xf32, #tpu.memory_space<vmem>>, vector<16xf32>,
      %swap3A_75 = arith.index_cast %scan3A_60 : i32 to index
      %swap3A_76 = arith.constant 80 : index
      %swap3A_77 = tpu.vector_load %arg4[%swap3A_75, %swap3A_76] {strides = array<i32>} : memref<128x128xf32, #tpu.memory_space<vmem>>, vector<16xf32>,
      tpu.vector_store %arg4[%swap3A_75, %swap3A_76], %broadcast_in_dim3A_15 {strides = array<i32>} : memref<128x128xf32, #tpu.memory_space<vmem>>, vector<16xf32>,
      %swap3A_78 = arith.index_cast %scan3A_60 : i32 to index
      %swap3A_79 = arith.constant 96 : index
      %swap3A_80 = tpu.vector_load %arg4[%swap3A_78, %swap3A_79] {strides = array<i32>} : memref<128x128xf32, #tpu.memory_space<vmem>>, vector<16xf32>,
      tpu.vector_store %arg4[%swap3A_78, %swap3A_79], %broadcast_in_dim3A_15 {strides = array<i32>} : memref<128x128xf32, #tpu.memory_space<vmem>>, vector<16xf32>,
      %swap3A_81 = arith.index_cast %scan3A_60 : i32 to index
      %swap3A_82 = arith.constant 112 : index
      %swap3A_83 = tpu.vector_load %arg4[%swap3A_81, %swap3A_82] {strides = array<i32>} : memref<128x128xf32, #tpu.memory_space<vmem>>, vector<16xf32>,
      tpu.vector_store %arg4[%swap3A_81, %swap3A_82], %broadcast_in_dim3A_15 {strides = array<i32>} : memref<128x128xf32, #tpu.memory_space<vmem>>, vector<16xf32>,
    }
    %scan3A_20 = arith.constant 128 : i32
    %while3A = arith.constant 0 : i32
    %while3A_21 = arith.constant 0 : i32
    %while3A_22 = arith.subi %add3A_8, %while3A_21 : i32
    %while3A_23 = arith.addi %while3A_21, %while3A_22 : i32
    %while3A_24 = arith.constant 1 : i32
    %while3A_25 = arith.divsi %while3A_22, %while3A_24 : i32
    %while3A_26 = arith.muli %while3A_25, %while3A_24 : i32
    %while3A_27 = arith.addi %while3A_21, %while3A_26 : i32
    %while3A_28 = arith.constant 1 : i32
    scf.for %while3A_60 = %while3A_21 to %while3A_27 step %while3A_28  : i32 {
      %add3A_61 = arith.addi %add3A_4, %while3A_60 : i32
      %mul3A_62 = arith.constant 128 : i32
      %mul3A_63 = arith.muli %add3A_61, %mul3A_62 : i32
      %multiple_of3A = tpu.assume_multiple %mul3A_63, 128 : i32
      %dma_start3A = arith.constant 0 : i32
      %dma_start3A_64 = tpu.memref_slice %arg3[%dma_start3A, %multiple_of3A] : memref<1024x100000xf32, #tpu.memory_space<hbm>> -> memref<128x128xf32, #tpu.memory_space<hbm>>
      %dma_start3A_65 = arith.constant 0 : i32
      %dma_start3A_66 = tpu.memref_slice %arg3[%dma_start3A_65, %multiple_of3A] : memref<1024x100000xf32, #tpu.memory_space<hbm>> -> memref<128x128xf32, #tpu.memory_space<hbm>>
      tpu.enqueue_dma source(%arg4 : memref<128x128xf32, #tpu.memory_space<vmem>>) target(%dma_start3A_66 : memref<128x128xf32, #tpu.memory_space<hbm>>) target_semaphore(%arg10 : memref<!tpu.dma_semaphore, #tpu.memory_space<semaphore_mem>>)
      %dma_start3A_67 = arith.constant 128 : i32
      %dma_start3A_68 = tpu.memref_slice %arg3[%dma_start3A_67, %multiple_of3A] : memref<1024x100000xf32, #tpu.memory_space<hbm>> -> memref<128x128xf32, #tpu.memory_space<hbm>>
      %dma_start3A_69 = arith.constant 128 : i32
      %dma_start3A_70 = tpu.memref_slice %arg3[%dma_start3A_69, %multiple_of3A] : memref<1024x100000xf32, #tpu.memory_space<hbm>> -> memref<128x128xf32, #tpu.memory_space<hbm>>
      tpu.enqueue_dma source(%arg4 : memref<128x128xf32, #tpu.memory_space<vmem>>) target(%dma_start3A_70 : memref<128x128xf32, #tpu.memory_space<hbm>>) target_semaphore(%arg10 : memref<!tpu.dma_semaphore, #tpu.memory_space<semaphore_mem>>)
      %dma_start3A_71 = arith.constant 256 : i32
      %dma_start3A_72 = tpu.memref_slice %arg3[%dma_start3A_71, %multiple_of3A] : memref<1024x100000xf32, #tpu.memory_space<hbm>> -> memref<128x128xf32, #tpu.memory_space<hbm>>
      %dma_start3A_73 = arith.constant 256 : i32
      %dma_start3A_74 = tpu.memref_slice %arg3[%dma_start3A_73, %multiple_of3A] : memref<1024x100000xf32, #tpu.memory_space<hbm>> -> memref<128x128xf32, #tpu.memory_space<hbm>>
      tpu.enqueue_dma source(%arg4 : memref<128x128xf32, #tpu.memory_space<vmem>>) target(%dma_start3A_74 : memref<128x128xf32, #tpu.memory_space<hbm>>) target_semaphore(%arg10 : memref<!tpu.dma_semaphore, #tpu.memory_space<semaphore_mem>>)
      %dma_start3A_75 = arith.constant 384 : i32
      %dma_start3A_76 = tpu.memref_slice %arg3[%dma_start3A_75, %multiple_of3A] : memref<1024x100000xf32, #tpu.memory_space<hbm>> -> memref<128x128xf32, #tpu.memory_space<hbm>>
      %dma_start3A_77 = arith.constant 384 : i32
      %dma_start3A_78 = tpu.memref_slice %arg3[%dma_start3A_77, %multiple_of3A] : memref<1024x100000xf32, #tpu.memory_space<hbm>> -> memref<128x128xf32, #tpu.memory_space<hbm>>
      tpu.enqueue_dma source(%arg4 : memref<128x128xf32, #tpu.memory_space<vmem>>) target(%dma_start3A_78 : memref<128x128xf32, #tpu.memory_space<hbm>>) target_semaphore(%arg10 : memref<!tpu.dma_semaphore, #tpu.memory_space<semaphore_mem>>)
      %dma_start3A_79 = arith.constant 512 : i32
      %dma_start3A_80 = tpu.memref_slice %arg3[%dma_start3A_79, %multiple_of3A] : memref<1024x100000xf32, #tpu.memory_space<hbm>> -> memref<128x128xf32, #tpu.memory_space<hbm>>
      %dma_start3A_81 = arith.constant 512 : i32
      %dma_start3A_82 = tpu.memref_slice %arg3[%dma_start3A_81, %multiple_of3A] : memref<1024x100000xf32, #tpu.memory_space<hbm>> -> memref<128x128xf32, #tpu.memory_space<hbm>>
      tpu.enqueue_dma source(%arg4 : memref<128x128xf32, #tpu.memory_space<vmem>>) target(%dma_start3A_82 : memref<128x128xf32, #tpu.memory_space<hbm>>) target_semaphore(%arg10 : memref<!tpu.dma_semaphore, #tpu.memory_space<semaphore_mem>>)
      %dma_start3A_83 = arith.constant 640 : i32
      %dma_start3A_84 = tpu.memref_slice %arg3[%dma_start3A_83, %multiple_of3A] : memref<1024x100000xf32, #tpu.memory_space<hbm>> -> memref<128x128xf32, #tpu.memory_space<hbm>>
      %dma_start3A_85 = arith.constant 640 : i32
      %dma_start3A_86 = tpu.memref_slice %arg3[%dma_start3A_85, %multiple_of3A] : memref<1024x100000xf32, #tpu.memory_space<hbm>> -> memref<128x128xf32, #tpu.memory_space<hbm>>
      tpu.enqueue_dma source(%arg4 : memref<128x128xf32, #tpu.memory_space<vmem>>) target(%dma_start3A_86 : memref<128x128xf32, #tpu.memory_space<hbm>>) target_semaphore(%arg10 : memref<!tpu.dma_semaphore, #tpu.memory_space<semaphore_mem>>)
      %dma_start3A_87 = arith.constant 768 : i32
      %dma_start3A_88 = tpu.memref_slice %arg3[%dma_start3A_87, %multiple_of3A] : memref<1024x100000xf32, #tpu.memory_space<hbm>> -> memref<128x128xf32, #tpu.memory_space<hbm>>
      %dma_start3A_89 = arith.constant 768 : i32
      %dma_start3A_90 = tpu.memref_slice %arg3[%dma_start3A_89, %multiple_of3A] : memref<1024x100000xf32, #tpu.memory_space<hbm>> -> memref<128x128xf32, #tpu.memory_space<hbm>>
      tpu.enqueue_dma source(%arg4 : memref<128x128xf32, #tpu.memory_space<vmem>>) target(%dma_start3A_90 : memref<128x128xf32, #tpu.memory_space<hbm>>) target_semaphore(%arg10 : memref<!tpu.dma_semaphore, #tpu.memory_space<semaphore_mem>>)
      %dma_start3A_91 = arith.constant 896 : i32
      %dma_start3A_92 = tpu.memref_slice %arg3[%dma_start3A_91, %multiple_of3A] : memref<1024x100000xf32, #tpu.memory_space<hbm>> -> memref<128x128xf32, #tpu.memory_space<hbm>>
      %dma_start3A_93 = arith.constant 896 : i32
      %dma_start3A_94 = tpu.memref_slice %arg3[%dma_start3A_93, %multiple_of3A] : memref<1024x100000xf32, #tpu.memory_space<hbm>> -> memref<128x128xf32, #tpu.memory_space<hbm>>
      tpu.enqueue_dma source(%arg4 : memref<128x128xf32, #tpu.memory_space<vmem>>) target(%dma_start3A_94 : memref<128x128xf32, #tpu.memory_space<hbm>>) target_semaphore(%arg10 : memref<!tpu.dma_semaphore, #tpu.memory_space<semaphore_mem>>)
    }
    %while3A_29 = arith.constant 1 : i32
    scf.for %while3A_60 = %while3A_27 to %while3A_23 step %while3A_29  : i32 {
      %add3A_61 = arith.addi %add3A_4, %while3A_60 : i32
      %mul3A_62 = arith.constant 128 : i32
      %mul3A_63 = arith.muli %add3A_61, %mul3A_62 : i32
      %multiple_of3A = tpu.assume_multiple %mul3A_63, 128 : i32
      %dma_start3A = arith.constant 0 : i32
      %dma_start3A_64 = tpu.memref_slice %arg3[%dma_start3A, %multiple_of3A] : memref<1024x100000xf32, #tpu.memory_space<hbm>> -> memref<128x128xf32, #tpu.memory_space<hbm>>
      %dma_start3A_65 = arith.constant 0 : i32
      %dma_start3A_66 = tpu.memref_slice %arg3[%dma_start3A_65, %multiple_of3A] : memref<1024x100000xf32, #tpu.memory_space<hbm>> -> memref<128x128xf32, #tpu.memory_space<hbm>>
      tpu.enqueue_dma source(%arg4 : memref<128x128xf32, #tpu.memory_space<vmem>>) target(%dma_start3A_66 : memref<128x128xf32, #tpu.memory_space<hbm>>) target_semaphore(%arg10 : memref<!tpu.dma_semaphore, #tpu.memory_space<semaphore_mem>>)
      %dma_start3A_67 = arith.constant 128 : i32
      %dma_start3A_68 = tpu.memref_slice %arg3[%dma_start3A_67, %multiple_of3A] : memref<1024x100000xf32, #tpu.memory_space<hbm>> -> memref<128x128xf32, #tpu.memory_space<hbm>>
      %dma_start3A_69 = arith.constant 128 : i32
      %dma_start3A_70 = tpu.memref_slice %arg3[%dma_start3A_69, %multiple_of3A] : memref<1024x100000xf32, #tpu.memory_space<hbm>> -> memref<128x128xf32, #tpu.memory_space<hbm>>
      tpu.enqueue_dma source(%arg4 : memref<128x128xf32, #tpu.memory_space<vmem>>) target(%dma_start3A_70 : memref<128x128xf32, #tpu.memory_space<hbm>>) target_semaphore(%arg10 : memref<!tpu.dma_semaphore, #tpu.memory_space<semaphore_mem>>)
      %dma_start3A_71 = arith.constant 256 : i32
      %dma_start3A_72 = tpu.memref_slice %arg3[%dma_start3A_71, %multiple_of3A] : memref<1024x100000xf32, #tpu.memory_space<hbm>> -> memref<128x128xf32, #tpu.memory_space<hbm>>
      %dma_start3A_73 = arith.constant 256 : i32
      %dma_start3A_74 = tpu.memref_slice %arg3[%dma_start3A_73, %multiple_of3A] : memref<1024x100000xf32, #tpu.memory_space<hbm>> -> memref<128x128xf32, #tpu.memory_space<hbm>>
      tpu.enqueue_dma source(%arg4 : memref<128x128xf32, #tpu.memory_space<vmem>>) target(%dma_start3A_74 : memref<128x128xf32, #tpu.memory_space<hbm>>) target_semaphore(%arg10 : memref<!tpu.dma_semaphore, #tpu.memory_space<semaphore_mem>>)
      %dma_start3A_75 = arith.constant 384 : i32
      %dma_start3A_76 = tpu.memref_slice %arg3[%dma_start3A_75, %multiple_of3A] : memref<1024x100000xf32, #tpu.memory_space<hbm>> -> memref<128x128xf32, #tpu.memory_space<hbm>>
      %dma_start3A_77 = arith.constant 384 : i32
      %dma_start3A_78 = tpu.memref_slice %arg3[%dma_start3A_77, %multiple_of3A] : memref<1024x100000xf32, #tpu.memory_space<hbm>> -> memref<128x128xf32, #tpu.memory_space<hbm>>
      tpu.enqueue_dma source(%arg4 : memref<128x128xf32, #tpu.memory_space<vmem>>) target(%dma_start3A_78 : memref<128x128xf32, #tpu.memory_space<hbm>>) target_semaphore(%arg10 : memref<!tpu.dma_semaphore, #tpu.memory_space<semaphore_mem>>)
      %dma_start3A_79 = arith.constant 512 : i32
      %dma_start3A_80 = tpu.memref_slice %arg3[%dma_start3A_79, %multiple_of3A] : memref<1024x100000xf32, #tpu.memory_space<hbm>> -> memref<128x128xf32, #tpu.memory_space<hbm>>
      %dma_start3A_81 = arith.constant 512 : i32
      %dma_start3A_82 = tpu.memref_slice %arg3[%dma_start3A_81, %multiple_of3A] : memref<1024x100000xf32, #tpu.memory_space<hbm>> -> memref<128x128xf32, #tpu.memory_space<hbm>>
      tpu.enqueue_dma source(%arg4 : memref<128x128xf32, #tpu.memory_space<vmem>>) target(%dma_start3A_82 : memref<128x128xf32, #tpu.memory_space<hbm>>) target_semaphore(%arg10 : memref<!tpu.dma_semaphore, #tpu.memory_space<semaphore_mem>>)
      %dma_start3A_83 = arith.constant 640 : i32
      %dma_start3A_84 = tpu.memref_slice %arg3[%dma_start3A_83, %multiple_of3A] : memref<1024x100000xf32, #tpu.memory_space<hbm>> -> memref<128x128xf32, #tpu.memory_space<hbm>>
      %dma_start3A_85 = arith.constant 640 : i32
      %dma_start3A_86 = tpu.memref_slice %arg3[%dma_start3A_85, %multiple_of3A] : memref<1024x100000xf32, #tpu.memory_space<hbm>> -> memref<128x128xf32, #tpu.memory_space<hbm>>
      tpu.enqueue_dma source(%arg4 : memref<128x128xf32, #tpu.memory_space<vmem>>) target(%dma_start3A_86 : memref<128x128xf32, #tpu.memory_space<hbm>>) target_semaphore(%arg10 : memref<!tpu.dma_semaphore, #tpu.memory_space<semaphore_mem>>)
      %dma_start3A_87 = arith.constant 768 : i32
      %dma_start3A_88 = tpu.memref_slice %arg3[%dma_start3A_87, %multiple_of3A] : memref<1024x100000xf32, #tpu.memory_space<hbm>> -> memref<128x128xf32, #tpu.memory_space<hbm>>
      %dma_start3A_89 = arith.constant 768 : i32
      %dma_start3A_90 = tpu.memref_slice %arg3[%dma_start3A_89, %multiple_of3A] : memref<1024x100000xf32, #tpu.memory_space<hbm>> -> memref<128x128xf32, #tpu.memory_space<hbm>>
      tpu.enqueue_dma source(%arg4 : memref<128x128xf32, #tpu.memory_space<vmem>>) target(%dma_start3A_90 : memref<128x128xf32, #tpu.memory_space<hbm>>) target_semaphore(%arg10 : memref<!tpu.dma_semaphore, #tpu.memory_space<semaphore_mem>>)
      %dma_start3A_91 = arith.constant 896 : i32
      %dma_start3A_92 = tpu.memref_slice %arg3[%dma_start3A_91, %multiple_of3A] : memref<1024x100000xf32, #tpu.memory_space<hbm>> -> memref<128x128xf32, #tpu.memory_space<hbm>>
      %dma_start3A_93 = arith.constant 896 : i32
      %dma_start3A_94 = tpu.memref_slice %arg3[%dma_start3A_93, %multiple_of3A] : memref<1024x100000xf32, #tpu.memory_space<hbm>> -> memref<128x128xf32, #tpu.memory_space<hbm>>
      tpu.enqueue_dma source(%arg4 : memref<128x128xf32, #tpu.memory_space<vmem>>) target(%dma_start3A_94 : memref<128x128xf32, #tpu.memory_space<hbm>>) target_semaphore(%arg10 : memref<!tpu.dma_semaphore, #tpu.memory_space<semaphore_mem>>)
    }
    %while3A_30 = arith.constant 0 : i32
    %while3A_31 = arith.constant 0 : i32
    %while3A_32 = arith.subi %add3A_8, %while3A_31 : i32
    %while3A_33 = arith.addi %while3A_31, %while3A_32 : i32
    %while3A_34 = arith.constant 1 : i32
    %while3A_35 = arith.divsi %while3A_32, %while3A_34 : i32
    %while3A_36 = arith.muli %while3A_35, %while3A_34 : i32
    %while3A_37 = arith.addi %while3A_31, %while3A_36 : i32
    %while3A_38 = arith.constant 1 : i32
    scf.for %while3A_60 = %while3A_31 to %while3A_37 step %while3A_38  : i32 {
      %mul3A_61 = arith.constant 128 : i32
      %mul3A_62 = arith.muli %add3A_4, %mul3A_61 : i32
      %multiple_of3A = tpu.assume_multiple %mul3A_62, 128 : i32
      %dma_wait3A = arith.constant 0 : i32
      %dma_wait3A_63 = tpu.memref_slice %arg3[%dma_wait3A, %multiple_of3A] : memref<1024x100000xf32, #tpu.memory_space<hbm>> -> memref<128x128xf32, #tpu.memory_space<hbm>>
      %dma_wait3A_64 = arith.constant 0 : i32
      %dma_wait3A_65 = tpu.memref_slice %arg3[%dma_wait3A_64, %multiple_of3A] : memref<1024x100000xf32, #tpu.memory_space<hbm>> -> memref<128x128xf32, #tpu.memory_space<hbm>>
      tpu.wait_dma2 semaphore(%arg10 : memref<!tpu.dma_semaphore, #tpu.memory_space<semaphore_mem>>) src(%arg4 : memref<128x128xf32, #tpu.memory_space<vmem>>) dst(%dma_wait3A_65 : memref<128x128xf32, #tpu.memory_space<hbm>>)
      %mul3A_66 = arith.constant 128 : i32
      %mul3A_67 = arith.muli %add3A_4, %mul3A_66 : i32
      %multiple_of3A_68 = tpu.assume_multiple %mul3A_67, 128 : i32
      %dma_wait3A_69 = arith.constant 128 : i32
      %dma_wait3A_70 = tpu.memref_slice %arg3[%dma_wait3A_69, %multiple_of3A_68] : memref<1024x100000xf32, #tpu.memory_space<hbm>> -> memref<128x128xf32, #tpu.memory_space<hbm>>
      %dma_wait3A_71 = arith.constant 128 : i32
      %dma_wait3A_72 = tpu.memref_slice %arg3[%dma_wait3A_71, %multiple_of3A_68] : memref<1024x100000xf32, #tpu.memory_space<hbm>> -> memref<128x128xf32, #tpu.memory_space<hbm>>
      tpu.wait_dma2 semaphore(%arg10 : memref<!tpu.dma_semaphore, #tpu.memory_space<semaphore_mem>>) src(%arg4 : memref<128x128xf32, #tpu.memory_space<vmem>>) dst(%dma_wait3A_72 : memref<128x128xf32, #tpu.memory_space<hbm>>)
      %mul3A_73 = arith.constant 128 : i32
      %mul3A_74 = arith.muli %add3A_4, %mul3A_73 : i32
      %multiple_of3A_75 = tpu.assume_multiple %mul3A_74, 128 : i32
      %dma_wait3A_76 = arith.constant 256 : i32
      %dma_wait3A_77 = tpu.memref_slice %arg3[%dma_wait3A_76, %multiple_of3A_75] : memref<1024x100000xf32, #tpu.memory_space<hbm>> -> memref<128x128xf32, #tpu.memory_space<hbm>>
      %dma_wait3A_78 = arith.constant 256 : i32
      %dma_wait3A_79 = tpu.memref_slice %arg3[%dma_wait3A_78, %multiple_of3A_75] : memref<1024x100000xf32, #tpu.memory_space<hbm>> -> memref<128x128xf32, #tpu.memory_space<hbm>>
      tpu.wait_dma2 semaphore(%arg10 : memref<!tpu.dma_semaphore, #tpu.memory_space<semaphore_mem>>) src(%arg4 : memref<128x128xf32, #tpu.memory_space<vmem>>) dst(%dma_wait3A_79 : memref<128x128xf32, #tpu.memory_space<hbm>>)
      %mul3A_80 = arith.constant 128 : i32
      %mul3A_81 = arith.muli %add3A_4, %mul3A_80 : i32
      %multiple_of3A_82 = tpu.assume_multiple %mul3A_81, 128 : i32
      %dma_wait3A_83 = arith.constant 384 : i32
      %dma_wait3A_84 = tpu.memref_slice %arg3[%dma_wait3A_83, %multiple_of3A_82] : memref<1024x100000xf32, #tpu.memory_space<hbm>> -> memref<128x128xf32, #tpu.memory_space<hbm>>
      %dma_wait3A_85 = arith.constant 384 : i32
      %dma_wait3A_86 = tpu.memref_slice %arg3[%dma_wait3A_85, %multiple_of3A_82] : memref<1024x100000xf32, #tpu.memory_space<hbm>> -> memref<128x128xf32, #tpu.memory_space<hbm>>
      tpu.wait_dma2 semaphore(%arg10 : memref<!tpu.dma_semaphore, #tpu.memory_space<semaphore_mem>>) src(%arg4 : memref<128x128xf32, #tpu.memory_space<vmem>>) dst(%dma_wait3A_86 : memref<128x128xf32, #tpu.memory_space<hbm>>)
      %mul3A_87 = arith.constant 128 : i32
      %mul3A_88 = arith.muli %add3A_4, %mul3A_87 : i32
      %multiple_of3A_89 = tpu.assume_multiple %mul3A_88, 128 : i32
      %dma_wait3A_90 = arith.constant 512 : i32
      %dma_wait3A_91 = tpu.memref_slice %arg3[%dma_wait3A_90, %multiple_of3A_89] : memref<1024x100000xf32, #tpu.memory_space<hbm>> -> memref<128x128xf32, #tpu.memory_space<hbm>>
      %dma_wait3A_92 = arith.constant 512 : i32
      %dma_wait3A_93 = tpu.memref_slice %arg3[%dma_wait3A_92, %multiple_of3A_89] : memref<1024x100000xf32, #tpu.memory_space<hbm>> -> memref<128x128xf32, #tpu.memory_space<hbm>>
      tpu.wait_dma2 semaphore(%arg10 : memref<!tpu.dma_semaphore, #tpu.memory_space<semaphore_mem>>) src(%arg4 : memref<128x128xf32, #tpu.memory_space<vmem>>) dst(%dma_wait3A_93 : memref<128x128xf32, #tpu.memory_space<hbm>>)
      %mul3A_94 = arith.constant 128 : i32
      %mul3A_95 = arith.muli %add3A_4, %mul3A_94 : i32
      %multiple_of3A_96 = tpu.assume_multiple %mul3A_95, 128 : i32
      %dma_wait3A_97 = arith.constant 640 : i32
      %dma_wait3A_98 = tpu.memref_slice %arg3[%dma_wait3A_97, %multiple_of3A_96] : memref<1024x100000xf32, #tpu.memory_space<hbm>> -> memref<128x128xf32, #tpu.memory_space<hbm>>
      %dma_wait3A_99 = arith.constant 640 : i32
      %dma_wait3A_100 = tpu.memref_slice %arg3[%dma_wait3A_99, %multiple_of3A_96] : memref<1024x100000xf32, #tpu.memory_space<hbm>> -> memref<128x128xf32, #tpu.memory_space<hbm>>
      tpu.wait_dma2 semaphore(%arg10 : memref<!tpu.dma_semaphore, #tpu.memory_space<semaphore_mem>>) src(%arg4 : memref<128x128xf32, #tpu.memory_space<vmem>>) dst(%dma_wait3A_100 : memref<128x128xf32, #tpu.memory_space<hbm>>)
      %mul3A_101 = arith.constant 128 : i32
      %mul3A_102 = arith.muli %add3A_4, %mul3A_101 : i32
      %multiple_of3A_103 = tpu.assume_multiple %mul3A_102, 128 : i32
      %dma_wait3A_104 = arith.constant 768 : i32
      %dma_wait3A_105 = tpu.memref_slice %arg3[%dma_wait3A_104, %multiple_of3A_103] : memref<1024x100000xf32, #tpu.memory_space<hbm>> -> memref<128x128xf32, #tpu.memory_space<hbm>>
      %dma_wait3A_106 = arith.constant 768 : i32
      %dma_wait3A_107 = tpu.memref_slice %arg3[%dma_wait3A_106, %multiple_of3A_103] : memref<1024x100000xf32, #tpu.memory_space<hbm>> -> memref<128x128xf32, #tpu.memory_space<hbm>>
      tpu.wait_dma2 semaphore(%arg10 : memref<!tpu.dma_semaphore, #tpu.memory_space<semaphore_mem>>) src(%arg4 : memref<128x128xf32, #tpu.memory_space<vmem>>) dst(%dma_wait3A_107 : memref<128x128xf32, #tpu.memory_space<hbm>>)
      %mul3A_108 = arith.constant 128 : i32
      %mul3A_109 = arith.muli %add3A_4, %mul3A_108 : i32
      %multiple_of3A_110 = tpu.assume_multiple %mul3A_109, 128 : i32
      %dma_wait3A_111 = arith.constant 896 : i32
      %dma_wait3A_112 = tpu.memref_slice %arg3[%dma_wait3A_111, %multiple_of3A_110] : memref<1024x100000xf32, #tpu.memory_space<hbm>> -> memref<128x128xf32, #tpu.memory_space<hbm>>
      %dma_wait3A_113 = arith.constant 896 : i32
      %dma_wait3A_114 = tpu.memref_slice %arg3[%dma_wait3A_113, %multiple_of3A_110] : memref<1024x100000xf32, #tpu.memory_space<hbm>> -> memref<128x128xf32, #tpu.memory_space<hbm>>
      tpu.wait_dma2 semaphore(%arg10 : memref<!tpu.dma_semaphore, #tpu.memory_space<semaphore_mem>>) src(%arg4 : memref<128x128xf32, #tpu.memory_space<vmem>>) dst(%dma_wait3A_114 : memref<128x128xf32, #tpu.memory_space<hbm>>)
    }
    %while3A_39 = arith.constant 1 : i32
    scf.for %while3A_60 = %while3A_37 to %while3A_33 step %while3A_39  : i32 {
      %mul3A_61 = arith.constant 128 : i32
      %mul3A_62 = arith.muli %add3A_4, %mul3A_61 : i32
      %multiple_of3A = tpu.assume_multiple %mul3A_62, 128 : i32
      %dma_wait3A = arith.constant 0 : i32
      %dma_wait3A_63 = tpu.memref_slice %arg3[%dma_wait3A, %multiple_of3A] : memref<1024x100000xf32, #tpu.memory_space<hbm>> -> memref<128x128xf32, #tpu.memory_space<hbm>>
      %dma_wait3A_64 = arith.constant 0 : i32
      %dma_wait3A_65 = tpu.memref_slice %arg3[%dma_wait3A_64, %multiple_of3A] : memref<1024x100000xf32, #tpu.memory_space<hbm>> -> memref<128x128xf32, #tpu.memory_space<hbm>>
      tpu.wait_dma2 semaphore(%arg10 : memref<!tpu.dma_semaphore, #tpu.memory_space<semaphore_mem>>) src(%arg4 : memref<128x128xf32, #tpu.memory_space<vmem>>) dst(%dma_wait3A_65 : memref<128x128xf32, #tpu.memory_space<hbm>>)
      %mul3A_66 = arith.constant 128 : i32
      %mul3A_67 = arith.muli %add3A_4, %mul3A_66 : i32
      %multiple_of3A_68 = tpu.assume_multiple %mul3A_67, 128 : i32
      %dma_wait3A_69 = arith.constant 128 : i32
      %dma_wait3A_70 = tpu.memref_slice %arg3[%dma_wait3A_69, %multiple_of3A_68] : memref<1024x100000xf32, #tpu.memory_space<hbm>> -> memref<128x128xf32, #tpu.memory_space<hbm>>
      %dma_wait3A_71 = arith.constant 128 : i32
      %dma_wait3A_72 = tpu.memref_slice %arg3[%dma_wait3A_71, %multiple_of3A_68] : memref<1024x100000xf32, #tpu.memory_space<hbm>> -> memref<128x128xf32, #tpu.memory_space<hbm>>
      tpu.wait_dma2 semaphore(%arg10 : memref<!tpu.dma_semaphore, #tpu.memory_space<semaphore_mem>>) src(%arg4 : memref<128x128xf32, #tpu.memory_space<vmem>>) dst(%dma_wait3A_72 : memref<128x128xf32, #tpu.memory_space<hbm>>)
      %mul3A_73 = arith.constant 128 : i32
      %mul3A_74 = arith.muli %add3A_4, %mul3A_73 : i32
      %multiple_of3A_75 = tpu.assume_multiple %mul3A_74, 128 : i32
      %dma_wait3A_76 = arith.constant 256 : i32
      %dma_wait3A_77 = tpu.memref_slice %arg3[%dma_wait3A_76, %multiple_of3A_75] : memref<1024x100000xf32, #tpu.memory_space<hbm>> -> memref<128x128xf32, #tpu.memory_space<hbm>>
      %dma_wait3A_78 = arith.constant 256 : i32
      %dma_wait3A_79 = tpu.memref_slice %arg3[%dma_wait3A_78, %multiple_of3A_75] : memref<1024x100000xf32, #tpu.memory_space<hbm>> -> memref<128x128xf32, #tpu.memory_space<hbm>>
      tpu.wait_dma2 semaphore(%arg10 : memref<!tpu.dma_semaphore, #tpu.memory_space<semaphore_mem>>) src(%arg4 : memref<128x128xf32, #tpu.memory_space<vmem>>) dst(%dma_wait3A_79 : memref<128x128xf32, #tpu.memory_space<hbm>>)
      %mul3A_80 = arith.constant 128 : i32
      %mul3A_81 = arith.muli %add3A_4, %mul3A_80 : i32
      %multiple_of3A_82 = tpu.assume_multiple %mul3A_81, 128 : i32
      %dma_wait3A_83 = arith.constant 384 : i32
      %dma_wait3A_84 = tpu.memref_slice %arg3[%dma_wait3A_83, %multiple_of3A_82] : memref<1024x100000xf32, #tpu.memory_space<hbm>> -> memref<128x128xf32, #tpu.memory_space<hbm>>
      %dma_wait3A_85 = arith.constant 384 : i32
      %dma_wait3A_86 = tpu.memref_slice %arg3[%dma_wait3A_85, %multiple_of3A_82] : memref<1024x100000xf32, #tpu.memory_space<hbm>> -> memref<128x128xf32, #tpu.memory_space<hbm>>
      tpu.wait_dma2 semaphore(%arg10 : memref<!tpu.dma_semaphore, #tpu.memory_space<semaphore_mem>>) src(%arg4 : memref<128x128xf32, #tpu.memory_space<vmem>>) dst(%dma_wait3A_86 : memref<128x128xf32, #tpu.memory_space<hbm>>)
      %mul3A_87 = arith.constant 128 : i32
      %mul3A_88 = arith.muli %add3A_4, %mul3A_87 : i32
      %multiple_of3A_89 = tpu.assume_multiple %mul3A_88, 128 : i32
      %dma_wait3A_90 = arith.constant 512 : i32
      %dma_wait3A_91 = tpu.memref_slice %arg3[%dma_wait3A_90, %multiple_of3A_89] : memref<1024x100000xf32, #tpu.memory_space<hbm>> -> memref<128x128xf32, #tpu.memory_space<hbm>>
      %dma_wait3A_92 = arith.constant 512 : i32
      %dma_wait3A_93 = tpu.memref_slice %arg3[%dma_wait3A_92, %multiple_of3A_89] : memref<1024x100000xf32, #tpu.memory_space<hbm>> -> memref<128x128xf32, #tpu.memory_space<hbm>>
      tpu.wait_dma2 semaphore(%arg10 : memref<!tpu.dma_semaphore, #tpu.memory_space<semaphore_mem>>) src(%arg4 : memref<128x128xf32, #tpu.memory_space<vmem>>) dst(%dma_wait3A_93 : memref<128x128xf32, #tpu.memory_space<hbm>>)
      %mul3A_94 = arith.constant 128 : i32
      %mul3A_95 = arith.muli %add3A_4, %mul3A_94 : i32
      %multiple_of3A_96 = tpu.assume_multiple %mul3A_95, 128 : i32
      %dma_wait3A_97 = arith.constant 640 : i32
      %dma_wait3A_98 = tpu.memref_slice %arg3[%dma_wait3A_97, %multiple_of3A_96] : memref<1024x100000xf32, #tpu.memory_space<hbm>> -> memref<128x128xf32, #tpu.memory_space<hbm>>
      %dma_wait3A_99 = arith.constant 640 : i32
      %dma_wait3A_100 = tpu.memref_slice %arg3[%dma_wait3A_99, %multiple_of3A_96] : memref<1024x100000xf32, #tpu.memory_space<hbm>> -> memref<128x128xf32, #tpu.memory_space<hbm>>
      tpu.wait_dma2 semaphore(%arg10 : memref<!tpu.dma_semaphore, #tpu.memory_space<semaphore_mem>>) src(%arg4 : memref<128x128xf32, #tpu.memory_space<vmem>>) dst(%dma_wait3A_100 : memref<128x128xf32, #tpu.memory_space<hbm>>)
      %mul3A_101 = arith.constant 128 : i32
      %mul3A_102 = arith.muli %add3A_4, %mul3A_101 : i32
      %multiple_of3A_103 = tpu.assume_multiple %mul3A_102, 128 : i32
      %dma_wait3A_104 = arith.constant 768 : i32
      %dma_wait3A_105 = tpu.memref_slice %arg3[%dma_wait3A_104, %multiple_of3A_103] : memref<1024x100000xf32, #tpu.memory_space<hbm>> -> memref<128x128xf32, #tpu.memory_space<hbm>>
      %dma_wait3A_106 = arith.constant 768 : i32
      %dma_wait3A_107 = tpu.memref_slice %arg3[%dma_wait3A_106, %multiple_of3A_103] : memref<1024x100000xf32, #tpu.memory_space<hbm>> -> memref<128x128xf32, #tpu.memory_space<hbm>>
      tpu.wait_dma2 semaphore(%arg10 : memref<!tpu.dma_semaphore, #tpu.memory_space<semaphore_mem>>) src(%arg4 : memref<128x128xf32, #tpu.memory_space<vmem>>) dst(%dma_wait3A_107 : memref<128x128xf32, #tpu.memory_space<hbm>>)
      %mul3A_108 = arith.constant 128 : i32
      %mul3A_109 = arith.muli %add3A_4, %mul3A_108 : i32
      %multiple_of3A_110 = tpu.assume_multiple %mul3A_109, 128 : i32
      %dma_wait3A_111 = arith.constant 896 : i32
      %dma_wait3A_112 = tpu.memref_slice %arg3[%dma_wait3A_111, %multiple_of3A_110] : memref<1024x100000xf32, #tpu.memory_space<hbm>> -> memref<128x128xf32, #tpu.memory_space<hbm>>
      %dma_wait3A_113 = arith.constant 896 : i32
      %dma_wait3A_114 = tpu.memref_slice %arg3[%dma_wait3A_113, %multiple_of3A_110] : memref<1024x100000xf32, #tpu.memory_space<hbm>> -> memref<128x128xf32, #tpu.memory_space<hbm>>
      tpu.wait_dma2 semaphore(%arg10 : memref<!tpu.dma_semaphore, #tpu.memory_space<semaphore_mem>>) src(%arg4 : memref<128x128xf32, #tpu.memory_space<vmem>>) dst(%dma_wait3A_114 : memref<128x128xf32, #tpu.memory_space<hbm>>)
    }
    %scan3A_40 = arith.constant 0 : i32
    %scan3A_41 = arith.constant 0 : i32
    %scan3A_42 = arith.constant 0 : i32
    %scan3A_43 = arith.constant 64 : i32
    %scan3A_44 = arith.addi %scan3A_42, %scan3A_43 : i32
    %scan3A_45 = arith.constant 1 : i32
    %scan3A_46:2 = scf.for %scan3A_60 = %scan3A_42 to %scan3A_44 step %scan3A_45 iter_args(%scan3A_61 = %scan3A_40, %scan3A_62 = %scan3A_41) -> (i32, i32)  : i32 {
      %mul3A_63 = arith.constant 16 : i32
      %mul3A_64 = arith.muli %scan3A_60, %mul3A_63 : i32
      %get3A = arith.index_cast %mul3A_64 : i32 to index
      %get3A_65 = tpu.vector_load %arg5[%get3A] {strides = array<i32>} : memref<1024xi32, #tpu.memory_space<vmem>>, vector<16xi32>,
      %mul3A_66 = arith.constant 16 : i32
      %mul3A_67 = arith.muli %scan3A_60, %mul3A_66 : i32
      %add3A_68 = vector.broadcast %mul3A_67 : i32 to vector<16xi32>
      %add3A_69 = arith.addi %add3A_68, %iota3A : vector<16xi32>
      %ge3A = vector.broadcast %mul3A_11 : i32 to vector<16xi32>
      %ge3A_70 = arith.cmpi sge, %get3A_65, %ge3A : vector<16xi32>
      %lt3A_71 = vector.broadcast %add3A_14 : i32 to vector<16xi32>
      %lt3A_72 = arith.cmpi slt, %get3A_65, %lt3A_71 : vector<16xi32>
      %and3A = arith.andi %ge3A_70, %lt3A_72 : vector<16xi1>
      %ne3A = arith.constant 0 : i32
      %ne3A_73 = vector.broadcast %ne3A : i32 to vector<16xi32>
      %ne3A_74 = arith.cmpi ne, %get3A_65, %ne3A_73 : vector<16xi32>
      %and3A_75 = arith.andi %and3A, %ne3A_74 : vector<16xi1>
      %all_reduce_population_count3A = tpu.all_reduce %and3A_75 {dim = 0 : i64, kind = #tpu.reduction_kind<sum>} : vector<16xi1> -> vector<16xi32>
      %reduce_max3A = arith.constant true
      %reduce_max3A_76 = vector.broadcast %reduce_max3A : i1 to vector<16xi1>
      %reduce_max3A_77 = arith.constant -2147483648 : i32
      %reduce_max3A_78 = vector.broadcast %reduce_max3A_77 : i32 to vector<16xi32>
      %reduce_max3A_79 = arith.xori %all_reduce_population_count3A, %reduce_max3A_78 : vector<16xi32>
      %reduce_max3A_80 = tpu.scan <max>, %reduce_max3A_79 masked %reduce_max3A_76 : vector<16xi32>, vector<16xi1> -> vector<16xi32>
      %reduce_max3A_81 = arith.xori %reduce_max3A_80, %reduce_max3A_78 : vector<16xi32>
      %reduce_max3A_82 = vector.extract %reduce_max3A_81[15] : i32 from vector<16xi32>
      %swap3A = arith.constant 0 : index
      %swap3A_83 = tpu.vector_load %arg6[%swap3A] masked %and3A_75 {strides = array<i32>} : memref<16xi32, #tpu.memory_space<vmem>>, vector<16xi32>, vector<16xi1>
      tpu.vector_store %arg6[%swap3A], %add3A_69 masked %and3A_75 {strides = array<i32>} : memref<16xi32, #tpu.memory_space<vmem>>, vector<16xi32>, vector<16xi1>
      %swap3A_84 = arith.constant 0 : index
      %swap3A_85 = tpu.vector_load %arg7[%swap3A_84] masked %and3A_75 {strides = array<i32>} : memref<16xi32, #tpu.memory_space<vmem>>, vector<16xi32>, vector<16xi1>
      tpu.vector_store %arg7[%swap3A_84], %get3A_65 masked %and3A_75 {strides = array<i32>} : memref<16xi32, #tpu.memory_space<vmem>>, vector<16xi32>, vector<16xi1>
      %get3A_86 = arith.constant 0 : index
      %get3A_87 = tpu.vector_load %arg6[%get3A_86] {strides = array<i32>} : memref<16xi32, #tpu.memory_space<vmem>>, vector<16xi32>,
      %get3A_88 = arith.constant 0 : index
      %get3A_89 = tpu.vector_load %arg7[%get3A_88] {strides = array<i32>} : memref<16xi32, #tpu.memory_space<vmem>>, vector<16xi32>,
      %while3A_90 = arith.constant 0 : i32
      %while3A_91 = arith.subi %reduce_max3A_82, %while3A_90 : i32
      %while3A_92 = arith.addi %while3A_90, %while3A_91 : i32
      %while3A_93 = arith.constant 1 : i32
      %while3A_94 = arith.divsi %while3A_91, %while3A_93 : i32
      %while3A_95 = arith.muli %while3A_94, %while3A_93 : i32
      %while3A_96 = arith.addi %while3A_90, %while3A_95 : i32
      %while3A_97 = arith.constant 1 : i32
      %while3A_98:2 = scf.for %while3A_101 = %while3A_90 to %while3A_96 step %while3A_97 iter_args(%while3A_102 = %scan3A_61, %while3A_103 = %scan3A_62) -> (i32, i32)  : i32 {
        %eq3A_104 = vector.broadcast %while3A_101 : i32 to vector<16xi32>
        %eq3A_105 = arith.cmpi eq, %iota3A, %eq3A_104 : vector<16xi32>
        %jit3A_106 = arith.constant 0 : i32
        %broadcast_in_dim3A_107 = vector.broadcast %jit3A_106 : i32 to vector<16xi32>
        %select_n3A_108 = arith.select %eq3A_105, %get3A_87, %broadcast_in_dim3A_107 : vector<16xi1>, vector<16xi32>
        %reduce_max3A_109 = arith.constant true
        %reduce_max3A_110 = vector.broadcast %reduce_max3A_109 : i1 to vector<16xi1>
        %reduce_max3A_111 = arith.constant -2147483648 : i32
        %reduce_max3A_112 = vector.broadcast %reduce_max3A_111 : i32 to vector<16xi32>
        %reduce_max3A_113 = arith.xori %select_n3A_108, %reduce_max3A_112 : vector<16xi32>
        %reduce_max3A_114 = tpu.scan <max>, %reduce_max3A_113 masked %reduce_max3A_110 : vector<16xi32>, vector<16xi1> -> vector<16xi32>
        %reduce_max3A_115 = arith.xori %reduce_max3A_114, %reduce_max3A_112 : vector<16xi32>
        %reduce_max3A_116 = vector.extract %reduce_max3A_115[15] : i32 from vector<16xi32>
        %eq3A_117 = vector.broadcast %while3A_101 : i32 to vector<16xi32>
        %eq3A_118 = arith.cmpi eq, %iota3A, %eq3A_117 : vector<16xi32>
        %jit3A_119 = arith.constant 0 : i32
        %broadcast_in_dim3A_120 = vector.broadcast %jit3A_119 : i32 to vector<16xi32>
        %select_n3A_121 = arith.select %eq3A_118, %get3A_89, %broadcast_in_dim3A_120 : vector<16xi1>, vector<16xi32>
        %reduce_max3A_122 = arith.constant true
        %reduce_max3A_123 = vector.broadcast %reduce_max3A_122 : i1 to vector<16xi1>
        %reduce_max3A_124 = arith.constant -2147483648 : i32
        %reduce_max3A_125 = vector.broadcast %reduce_max3A_124 : i32 to vector<16xi32>
        %reduce_max3A_126 = arith.xori %select_n3A_121, %reduce_max3A_125 : vector<16xi32>
        %reduce_max3A_127 = tpu.scan <max>, %reduce_max3A_126 masked %reduce_max3A_123 : vector<16xi32>, vector<16xi1> -> vector<16xi32>
        %reduce_max3A_128 = arith.xori %reduce_max3A_127, %reduce_max3A_125 : vector<16xi32>
        %reduce_max3A_129 = vector.extract %reduce_max3A_128[15] : i32 from vector<16xi32>
        %rem3A = arith.constant 16 : i32
        %rem3A_130 = arith.remsi %reduce_max3A_129, %rem3A : i32
        %eq3A_131 = vector.broadcast %rem3A_130 : i32 to vector<16xi32>
        %eq3A_132 = arith.cmpi eq, %iota3A, %eq3A_131 : vector<16xi32>
        %jit3A_133 = arith.constant 1.000000e+00 : f32
        %jit3A_134 = arith.constant 0.000000e+00 : f32
        %broadcast_in_dim3A_135 = vector.broadcast %jit3A_133 : f32 to vector<16xf32>
        %broadcast_in_dim3A_136 = vector.broadcast %jit3A_134 : f32 to vector<16xf32>
        %select_n3A_137 = arith.select %eq3A_132, %broadcast_in_dim3A_135, %broadcast_in_dim3A_136 : vector<16xi1>, vector<16xf32>
        %jit3A_138 = arith.constant 16 : i32
        %div3A = arith.divsi %reduce_max3A_129, %jit3A_138 : i32
        %sign3A = arith.constant 0 : i32
        %sign3A_139 = arith.cmpi sgt, %reduce_max3A_129, %sign3A : i32
        %sign3A_140 = arith.extui %sign3A_139 : i1 to i32
        %sign3A_141 = arith.constant 0 : i32
        %sign3A_142 = arith.cmpi slt, %reduce_max3A_129, %sign3A_141 : i32
        %sign3A_143 = arith.extui %sign3A_142 : i1 to i32
        %sign3A_144 = arith.subi %sign3A_140, %sign3A_143 : i32
        %sign3A_145 = arith.constant 0 : i32
        %sign3A_146 = arith.cmpi sgt, %jit3A_138, %sign3A_145 : i32
        %sign3A_147 = arith.extui %sign3A_146 : i1 to i32
        %sign3A_148 = arith.constant 0 : i32
        %sign3A_149 = arith.cmpi slt, %jit3A_138, %sign3A_148 : i32
        %sign3A_150 = arith.extui %sign3A_149 : i1 to i32
        %sign3A_151 = arith.subi %sign3A_147, %sign3A_150 : i32
        %ne3A_152 = arith.cmpi ne, %sign3A_144, %sign3A_151 : i32
        %rem3A_153 = arith.remsi %reduce_max3A_129, %jit3A_138 : i32
        %ne3A_154 = arith.constant 0 : i32
        %ne3A_155 = arith.cmpi ne, %rem3A_153, %ne3A_154 : i32
        %and3A_156 = arith.andi %ne3A_152, %ne3A_155 : i1
        %sub3A = arith.constant 1 : i32
        %sub3A_157 = arith.subi %div3A, %sub3A : i32
        %select_n3A_158 = arith.select %and3A_156, %sub3A_157, %div3A : i32
        %rem3A_159 = arith.constant 8 : i32
        %rem3A_160 = arith.remsi %select_n3A_158, %rem3A_159 : i32
        %ge3A_161 = arith.constant 99968 : i32
        %ge3A_162 = arith.cmpi sge, %reduce_max3A_129, %ge3A_161 : i32
        %rem3A_163 = arith.constant 4 : i32
        %rem3A_164 = arith.remsi %while3A_102, %rem3A_163 : i32
        %ge3A_165 = arith.constant 4 : i32
        %ge3A_166 = arith.cmpi sge, %while3A_102, %ge3A_165 : i32
        %convert_element_type3A = arith.extui %ge3A_166 : i1 to i32
        %cond3A = arith.constant 0 : i32
        %cond3A_167 = arith.cmpi ne, %convert_element_type3A, %cond3A : i32
        scf.if %cond3A_167 {
          %dma_wait3A = arith.constant 0 : i32
          %dma_wait3A_181 = arith.constant 0 : i32
          %dma_wait3A_182 = arith.constant 0 : i32
          %dma_wait3A_183 = tpu.memref_slice %arg8[%dma_wait3A, %dma_wait3A_182] : memref<4x128xf32, #tpu.memory_space<vmem>> -> memref<1x128xf32, #tpu.memory_space<vmem>>
          %dma_wait3A_184 = tpu.memref_squeeze %dma_wait3A_183 : memref<1x128xf32, #tpu.memory_space<vmem>> -> memref<128xf32, #tpu.memory_space<vmem>>
          %dma_wait3A_185 = arith.constant 0 : i32
          %dma_wait3A_186 = tpu.memref_slice %arg3[%dma_wait3A_181, %dma_wait3A_185] : memref<1024x100000xf32, #tpu.memory_space<hbm>> -> memref<1x128xf32, #tpu.memory_space<hbm>>
          %dma_wait3A_187 = tpu.memref_squeeze %dma_wait3A_186 : memref<1x128xf32, #tpu.memory_space<hbm>> -> memref<128xf32, #tpu.memory_space<hbm>>
          %dma_wait3A_188 = arith.constant 0 : i32
          %dma_wait3A_189 = tpu.memref_slice %arg3[%dma_wait3A_181, %dma_wait3A_188] : memref<1024x100000xf32, #tpu.memory_space<hbm>> -> memref<1x128xf32, #tpu.memory_space<hbm>>
          %dma_wait3A_190 = tpu.memref_squeeze %dma_wait3A_189 : memref<1x128xf32, #tpu.memory_space<hbm>> -> memref<128xf32, #tpu.memory_space<hbm>>
          %dma_wait3A_191 = arith.constant 0 : i32
          %dma_wait3A_192 = tpu.memref_slice %arg8[%dma_wait3A, %dma_wait3A_191] : memref<4x128xf32, #tpu.memory_space<vmem>> -> memref<1x128xf32, #tpu.memory_space<vmem>>
          %dma_wait3A_193 = tpu.memref_squeeze %dma_wait3A_192 : memref<1x128xf32, #tpu.memory_space<vmem>> -> memref<128xf32, #tpu.memory_space<vmem>>
          tpu.wait_dma2 semaphore(%arg11 : memref<!tpu.dma_semaphore, #tpu.memory_space<semaphore_mem>>) src(%dma_wait3A_193 : memref<128xf32, #tpu.memory_space<vmem>>) dst(%dma_wait3A_190 : memref<128xf32, #tpu.memory_space<hbm>>)
        } else {
        }
        %clamp3A = arith.constant 0 : i32
        %clamp3A_168 = arith.constant 3 : i32
        %clamp3A_169 = arith.maxsi %rem3A_164, %clamp3A : i32
        %clamp3A_170 = arith.minsi %clamp3A_169, %clamp3A_168 : i32
        %cond3A_171 = arith.constant 0 : i32
        %cond3A_172 = arith.cmpi ne, %clamp3A_170, %cond3A_171 : i32
        scf.if %cond3A_172 {
          %cond3A_181 = arith.constant 1 : i32
          %cond3A_182 = arith.subi %clamp3A_170, %cond3A_181 : i32
          %cond3A_183 = arith.constant 0 : i32
          %cond3A_184 = arith.cmpi ne, %cond3A_182, %cond3A_183 : i32
          scf.if %cond3A_184 {
            %cond3A_185 = arith.constant 1 : i32
            %cond3A_186 = arith.subi %cond3A_182, %cond3A_185 : i32
            %cond3A_187 = arith.constant 0 : i32
            %cond3A_188 = arith.cmpi ne, %cond3A_186, %cond3A_187 : i32
            scf.if %cond3A_188 {
              %eq3A_189 = arith.constant 0 : i32
              %eq3A_190 = arith.cmpi eq, %rem3A_160, %eq3A_189 : i32
              %select_n3A_191 = arith.select %eq3A_190, %select_n3A_137, %broadcast_in_dim3A_15 : vector<16xf32>
              %swap3A_192 = arith.constant 3 : i32
              %swap3A_193 = arith.index_cast %swap3A_192 : i32 to index
              %swap3A_194 = arith.constant 0 : index
              %swap3A_195 = tpu.vector_load %arg8[%swap3A_193, %swap3A_194] {strides = array<i32>} : memref<4x128xf32, #tpu.memory_space<vmem>>, vector<16xf32>,
              tpu.vector_store %arg8[%swap3A_193, %swap3A_194], %select_n3A_191 {strides = array<i32>} : memref<4x128xf32, #tpu.memory_space<vmem>>, vector<16xf32>,
              %eq3A_196 = arith.constant 1 : i32
              %eq3A_197 = arith.cmpi eq, %rem3A_160, %eq3A_196 : i32
              %select_n3A_198 = arith.select %eq3A_197, %select_n3A_137, %broadcast_in_dim3A_15 : vector<16xf32>
              %swap3A_199 = arith.constant 3 : i32
              %swap3A_200 = arith.index_cast %swap3A_199 : i32 to index
              %swap3A_201 = arith.constant 16 : index
              %swap3A_202 = tpu.vector_load %arg8[%swap3A_200, %swap3A_201] {strides = array<i32>} : memref<4x128xf32, #tpu.memory_space<vmem>>, vector<16xf32>,
              tpu.vector_store %arg8[%swap3A_200, %swap3A_201], %select_n3A_198 {strides = array<i32>} : memref<4x128xf32, #tpu.memory_space<vmem>>, vector<16xf32>,
              %eq3A_203 = arith.constant 2 : i32
              %eq3A_204 = arith.cmpi eq, %rem3A_160, %eq3A_203 : i32
              %select_n3A_205 = arith.select %eq3A_204, %select_n3A_137, %broadcast_in_dim3A_15 : vector<16xf32>
              %swap3A_206 = arith.constant 3 : i32
              %swap3A_207 = arith.index_cast %swap3A_206 : i32 to index
              %swap3A_208 = arith.constant 32 : index
              %swap3A_209 = tpu.vector_load %arg8[%swap3A_207, %swap3A_208] {strides = array<i32>} : memref<4x128xf32, #tpu.memory_space<vmem>>, vector<16xf32>,
              tpu.vector_store %arg8[%swap3A_207, %swap3A_208], %select_n3A_205 {strides = array<i32>} : memref<4x128xf32, #tpu.memory_space<vmem>>, vector<16xf32>,
              %eq3A_210 = arith.constant 3 : i32
              %eq3A_211 = arith.cmpi eq, %rem3A_160, %eq3A_210 : i32
              %select_n3A_212 = arith.select %eq3A_211, %select_n3A_137, %broadcast_in_dim3A_15 : vector<16xf32>
              %swap3A_213 = arith.constant 3 : i32
              %swap3A_214 = arith.index_cast %swap3A_213 : i32 to index
              %swap3A_215 = arith.constant 48 : index
              %swap3A_216 = tpu.vector_load %arg8[%swap3A_214, %swap3A_215] {strides = array<i32>} : memref<4x128xf32, #tpu.memory_space<vmem>>, vector<16xf32>,
              tpu.vector_store %arg8[%swap3A_214, %swap3A_215], %select_n3A_212 {strides = array<i32>} : memref<4x128xf32, #tpu.memory_space<vmem>>, vector<16xf32>,
              %eq3A_217 = arith.constant 4 : i32
              %eq3A_218 = arith.cmpi eq, %rem3A_160, %eq3A_217 : i32
              %select_n3A_219 = arith.select %eq3A_218, %select_n3A_137, %broadcast_in_dim3A_15 : vector<16xf32>
              %swap3A_220 = arith.constant 3 : i32
              %swap3A_221 = arith.index_cast %swap3A_220 : i32 to index
              %swap3A_222 = arith.constant 64 : index
              %swap3A_223 = tpu.vector_load %arg8[%swap3A_221, %swap3A_222] {strides = array<i32>} : memref<4x128xf32, #tpu.memory_space<vmem>>, vector<16xf32>,
              tpu.vector_store %arg8[%swap3A_221, %swap3A_222], %select_n3A_219 {strides = array<i32>} : memref<4x128xf32, #tpu.memory_space<vmem>>, vector<16xf32>,
              %eq3A_224 = arith.constant 5 : i32
              %eq3A_225 = arith.cmpi eq, %rem3A_160, %eq3A_224 : i32
              %select_n3A_226 = arith.select %eq3A_225, %select_n3A_137, %broadcast_in_dim3A_15 : vector<16xf32>
              %swap3A_227 = arith.constant 3 : i32
              %swap3A_228 = arith.index_cast %swap3A_227 : i32 to index
              %swap3A_229 = arith.constant 80 : index
              %swap3A_230 = tpu.vector_load %arg8[%swap3A_228, %swap3A_229] {strides = array<i32>} : memref<4x128xf32, #tpu.memory_space<vmem>>, vector<16xf32>,
              tpu.vector_store %arg8[%swap3A_228, %swap3A_229], %select_n3A_226 {strides = array<i32>} : memref<4x128xf32, #tpu.memory_space<vmem>>, vector<16xf32>,
              %eq3A_231 = arith.constant 6 : i32
              %eq3A_232 = arith.cmpi eq, %rem3A_160, %eq3A_231 : i32
              %select_n3A_233 = arith.select %eq3A_232, %select_n3A_137, %broadcast_in_dim3A_15 : vector<16xf32>
              %swap3A_234 = arith.constant 3 : i32
              %swap3A_235 = arith.index_cast %swap3A_234 : i32 to index
              %swap3A_236 = arith.constant 96 : index
              %swap3A_237 = tpu.vector_load %arg8[%swap3A_235, %swap3A_236] {strides = array<i32>} : memref<4x128xf32, #tpu.memory_space<vmem>>, vector<16xf32>,
              tpu.vector_store %arg8[%swap3A_235, %swap3A_236], %select_n3A_233 {strides = array<i32>} : memref<4x128xf32, #tpu.memory_space<vmem>>, vector<16xf32>,
              %eq3A_238 = arith.constant 7 : i32
              %eq3A_239 = arith.cmpi eq, %rem3A_160, %eq3A_238 : i32
              %select_n3A_240 = arith.select %eq3A_239, %select_n3A_137, %broadcast_in_dim3A_15 : vector<16xf32>
              %swap3A_241 = arith.constant 3 : i32
              %swap3A_242 = arith.index_cast %swap3A_241 : i32 to index
              %swap3A_243 = arith.constant 112 : index
              %swap3A_244 = tpu.vector_load %arg8[%swap3A_242, %swap3A_243] {strides = array<i32>} : memref<4x128xf32, #tpu.memory_space<vmem>>, vector<16xf32>,
              tpu.vector_store %arg8[%swap3A_242, %swap3A_243], %select_n3A_240 {strides = array<i32>} : memref<4x128xf32, #tpu.memory_space<vmem>>, vector<16xf32>,
              %jit3A_245 = arith.constant 128 : i32
              %div3A_246 = arith.divsi %reduce_max3A_129, %jit3A_245 : i32
              %sign3A_247 = arith.constant 0 : i32
              %sign3A_248 = arith.cmpi sgt, %reduce_max3A_129, %sign3A_247 : i32
              %sign3A_249 = arith.extui %sign3A_248 : i1 to i32
              %sign3A_250 = arith.constant 0 : i32
              %sign3A_251 = arith.cmpi slt, %reduce_max3A_129, %sign3A_250 : i32
              %sign3A_252 = arith.extui %sign3A_251 : i1 to i32
              %sign3A_253 = arith.subi %sign3A_249, %sign3A_252 : i32
              %sign3A_254 = arith.constant 0 : i32
              %sign3A_255 = arith.cmpi sgt, %jit3A_245, %sign3A_254 : i32
              %sign3A_256 = arith.extui %sign3A_255 : i1 to i32
              %sign3A_257 = arith.constant 0 : i32
              %sign3A_258 = arith.cmpi slt, %jit3A_245, %sign3A_257 : i32
              %sign3A_259 = arith.extui %sign3A_258 : i1 to i32
              %sign3A_260 = arith.subi %sign3A_256, %sign3A_259 : i32
              %ne3A_261 = arith.cmpi ne, %sign3A_253, %sign3A_260 : i32
              %rem3A_262 = arith.remsi %reduce_max3A_129, %jit3A_245 : i32
              %ne3A_263 = arith.constant 0 : i32
              %ne3A_264 = arith.cmpi ne, %rem3A_262, %ne3A_263 : i32
              %and3A_265 = arith.andi %ne3A_261, %ne3A_264 : i1
              %sub3A_266 = arith.constant 1 : i32
              %sub3A_267 = arith.subi %div3A_246, %sub3A_266 : i32
              %select_n3A_268 = arith.select %and3A_265, %sub3A_267, %div3A_246 : i32
              %mul3A_269 = arith.constant 128 : i32
              %mul3A_270 = arith.muli %select_n3A_268, %mul3A_269 : i32
              %multiple_of3A = tpu.assume_multiple %mul3A_270, 128 : i32
              %dma_start3A = arith.constant 3 : i32
              %dma_start3A_271 = arith.constant 0 : i32
              %dma_start3A_272 = tpu.memref_slice %arg8[%dma_start3A, %dma_start3A_271] : memref<4x128xf32, #tpu.memory_space<vmem>> -> memref<1x128xf32, #tpu.memory_space<vmem>>
              %dma_start3A_273 = tpu.memref_squeeze %dma_start3A_272 : memref<1x128xf32, #tpu.memory_space<vmem>> -> memref<128xf32, #tpu.memory_space<vmem>>
              %dma_start3A_274 = tpu.memref_slice %arg3[%reduce_max3A_116, %multiple_of3A] : memref<1024x100000xf32, #tpu.memory_space<hbm>> -> memref<1x128xf32, #tpu.memory_space<hbm>>
              %dma_start3A_275 = tpu.memref_squeeze %dma_start3A_274 : memref<1x128xf32, #tpu.memory_space<hbm>> -> memref<128xf32, #tpu.memory_space<hbm>>
              %dma_start3A_276 = tpu.memref_slice %arg3[%reduce_max3A_116, %multiple_of3A] : memref<1024x100000xf32, #tpu.memory_space<hbm>> -> memref<1x128xf32, #tpu.memory_space<hbm>>
              %dma_start3A_277 = tpu.memref_squeeze %dma_start3A_276 : memref<1x128xf32, #tpu.memory_space<hbm>> -> memref<128xf32, #tpu.memory_space<hbm>>
              %dma_start3A_278 = arith.constant 0 : i32
              %dma_start3A_279 = tpu.memref_slice %arg8[%dma_start3A, %dma_start3A_278] : memref<4x128xf32, #tpu.memory_space<vmem>> -> memref<1x128xf32, #tpu.memory_space<vmem>>
              %dma_start3A_280 = tpu.memref_squeeze %dma_start3A_279 : memref<1x128xf32, #tpu.memory_space<vmem>> -> memref<128xf32, #tpu.memory_space<vmem>>
              tpu.enqueue_dma source(%dma_start3A_280 : memref<128xf32, #tpu.memory_space<vmem>>) target(%dma_start3A_277 : memref<128xf32, #tpu.memory_space<hbm>>) target_semaphore(%arg11 : memref<!tpu.dma_semaphore, #tpu.memory_space<semaphore_mem>>)
            } else {
              %eq3A_189 = arith.constant 0 : i32
              %eq3A_190 = arith.cmpi eq, %rem3A_160, %eq3A_189 : i32
              %select_n3A_191 = arith.select %eq3A_190, %select_n3A_137, %broadcast_in_dim3A_15 : vector<16xf32>
              %swap3A_192 = arith.constant 2 : i32
              %swap3A_193 = arith.index_cast %swap3A_192 : i32 to index
              %swap3A_194 = arith.constant 0 : index
              %swap3A_195 = tpu.vector_load %arg8[%swap3A_193, %swap3A_194] {strides = array<i32>} : memref<4x128xf32, #tpu.memory_space<vmem>>, vector<16xf32>,
              tpu.vector_store %arg8[%swap3A_193, %swap3A_194], %select_n3A_191 {strides = array<i32>} : memref<4x128xf32, #tpu.memory_space<vmem>>, vector<16xf32>,
              %eq3A_196 = arith.constant 1 : i32
              %eq3A_197 = arith.cmpi eq, %rem3A_160, %eq3A_196 : i32
              %select_n3A_198 = arith.select %eq3A_197, %select_n3A_137, %broadcast_in_dim3A_15 : vector<16xf32>
              %swap3A_199 = arith.constant 2 : i32
              %swap3A_200 = arith.index_cast %swap3A_199 : i32 to index
              %swap3A_201 = arith.constant 16 : index
              %swap3A_202 = tpu.vector_load %arg8[%swap3A_200, %swap3A_201] {strides = array<i32>} : memref<4x128xf32, #tpu.memory_space<vmem>>, vector<16xf32>,
              tpu.vector_store %arg8[%swap3A_200, %swap3A_201], %select_n3A_198 {strides = array<i32>} : memref<4x128xf32, #tpu.memory_space<vmem>>, vector<16xf32>,
              %eq3A_203 = arith.constant 2 : i32
              %eq3A_204 = arith.cmpi eq, %rem3A_160, %eq3A_203 : i32
              %select_n3A_205 = arith.select %eq3A_204, %select_n3A_137, %broadcast_in_dim3A_15 : vector<16xf32>
              %swap3A_206 = arith.constant 2 : i32
              %swap3A_207 = arith.index_cast %swap3A_206 : i32 to index
              %swap3A_208 = arith.constant 32 : index
              %swap3A_209 = tpu.vector_load %arg8[%swap3A_207, %swap3A_208] {strides = array<i32>} : memref<4x128xf32, #tpu.memory_space<vmem>>, vector<16xf32>,
              tpu.vector_store %arg8[%swap3A_207, %swap3A_208], %select_n3A_205 {strides = array<i32>} : memref<4x128xf32, #tpu.memory_space<vmem>>, vector<16xf32>,
              %eq3A_210 = arith.constant 3 : i32
              %eq3A_211 = arith.cmpi eq, %rem3A_160, %eq3A_210 : i32
              %select_n3A_212 = arith.select %eq3A_211, %select_n3A_137, %broadcast_in_dim3A_15 : vector<16xf32>
              %swap3A_213 = arith.constant 2 : i32
              %swap3A_214 = arith.index_cast %swap3A_213 : i32 to index
              %swap3A_215 = arith.constant 48 : index
              %swap3A_216 = tpu.vector_load %arg8[%swap3A_214, %swap3A_215] {strides = array<i32>} : memref<4x128xf32, #tpu.memory_space<vmem>>, vector<16xf32>,
              tpu.vector_store %arg8[%swap3A_214, %swap3A_215], %select_n3A_212 {strides = array<i32>} : memref<4x128xf32, #tpu.memory_space<vmem>>, vector<16xf32>,
              %eq3A_217 = arith.constant 4 : i32
              %eq3A_218 = arith.cmpi eq, %rem3A_160, %eq3A_217 : i32
              %select_n3A_219 = arith.select %eq3A_218, %select_n3A_137, %broadcast_in_dim3A_15 : vector<16xf32>
              %swap3A_220 = arith.constant 2 : i32
              %swap3A_221 = arith.index_cast %swap3A_220 : i32 to index
              %swap3A_222 = arith.constant 64 : index
              %swap3A_223 = tpu.vector_load %arg8[%swap3A_221, %swap3A_222] {strides = array<i32>} : memref<4x128xf32, #tpu.memory_space<vmem>>, vector<16xf32>,
              tpu.vector_store %arg8[%swap3A_221, %swap3A_222], %select_n3A_219 {strides = array<i32>} : memref<4x128xf32, #tpu.memory_space<vmem>>, vector<16xf32>,
              %eq3A_224 = arith.constant 5 : i32
              %eq3A_225 = arith.cmpi eq, %rem3A_160, %eq3A_224 : i32
              %select_n3A_226 = arith.select %eq3A_225, %select_n3A_137, %broadcast_in_dim3A_15 : vector<16xf32>
              %swap3A_227 = arith.constant 2 : i32
              %swap3A_228 = arith.index_cast %swap3A_227 : i32 to index
              %swap3A_229 = arith.constant 80 : index
              %swap3A_230 = tpu.vector_load %arg8[%swap3A_228, %swap3A_229] {strides = array<i32>} : memref<4x128xf32, #tpu.memory_space<vmem>>, vector<16xf32>,
              tpu.vector_store %arg8[%swap3A_228, %swap3A_229], %select_n3A_226 {strides = array<i32>} : memref<4x128xf32, #tpu.memory_space<vmem>>, vector<16xf32>,
              %eq3A_231 = arith.constant 6 : i32
              %eq3A_232 = arith.cmpi eq, %rem3A_160, %eq3A_231 : i32
              %select_n3A_233 = arith.select %eq3A_232, %select_n3A_137, %broadcast_in_dim3A_15 : vector<16xf32>
              %swap3A_234 = arith.constant 2 : i32
              %swap3A_235 = arith.index_cast %swap3A_234 : i32 to index
              %swap3A_236 = arith.constant 96 : index
              %swap3A_237 = tpu.vector_load %arg8[%swap3A_235, %swap3A_236] {strides = array<i32>} : memref<4x128xf32, #tpu.memory_space<vmem>>, vector<16xf32>,
              tpu.vector_store %arg8[%swap3A_235, %swap3A_236], %select_n3A_233 {strides = array<i32>} : memref<4x128xf32, #tpu.memory_space<vmem>>, vector<16xf32>,
              %eq3A_238 = arith.constant 7 : i32
              %eq3A_239 = arith.cmpi eq, %rem3A_160, %eq3A_238 : i32
              %select_n3A_240 = arith.select %eq3A_239, %select_n3A_137, %broadcast_in_dim3A_15 : vector<16xf32>
              %swap3A_241 = arith.constant 2 : i32
              %swap3A_242 = arith.index_cast %swap3A_241 : i32 to index
              %swap3A_243 = arith.constant 112 : index
              %swap3A_244 = tpu.vector_load %arg8[%swap3A_242, %swap3A_243] {strides = array<i32>} : memref<4x128xf32, #tpu.memory_space<vmem>>, vector<16xf32>,
              tpu.vector_store %arg8[%swap3A_242, %swap3A_243], %select_n3A_240 {strides = array<i32>} : memref<4x128xf32, #tpu.memory_space<vmem>>, vector<16xf32>,
              %jit3A_245 = arith.constant 128 : i32
              %div3A_246 = arith.divsi %reduce_max3A_129, %jit3A_245 : i32
              %sign3A_247 = arith.constant 0 : i32
              %sign3A_248 = arith.cmpi sgt, %reduce_max3A_129, %sign3A_247 : i32
              %sign3A_249 = arith.extui %sign3A_248 : i1 to i32
              %sign3A_250 = arith.constant 0 : i32
              %sign3A_251 = arith.cmpi slt, %reduce_max3A_129, %sign3A_250 : i32
              %sign3A_252 = arith.extui %sign3A_251 : i1 to i32
              %sign3A_253 = arith.subi %sign3A_249, %sign3A_252 : i32
              %sign3A_254 = arith.constant 0 : i32
              %sign3A_255 = arith.cmpi sgt, %jit3A_245, %sign3A_254 : i32
              %sign3A_256 = arith.extui %sign3A_255 : i1 to i32
              %sign3A_257 = arith.constant 0 : i32
              %sign3A_258 = arith.cmpi slt, %jit3A_245, %sign3A_257 : i32
              %sign3A_259 = arith.extui %sign3A_258 : i1 to i32
              %sign3A_260 = arith.subi %sign3A_256, %sign3A_259 : i32
              %ne3A_261 = arith.cmpi ne, %sign3A_253, %sign3A_260 : i32
              %rem3A_262 = arith.remsi %reduce_max3A_129, %jit3A_245 : i32
              %ne3A_263 = arith.constant 0 : i32
              %ne3A_264 = arith.cmpi ne, %rem3A_262, %ne3A_263 : i32
              %and3A_265 = arith.andi %ne3A_261, %ne3A_264 : i1
              %sub3A_266 = arith.constant 1 : i32
              %sub3A_267 = arith.subi %div3A_246, %sub3A_266 : i32
              %select_n3A_268 = arith.select %and3A_265, %sub3A_267, %div3A_246 : i32
              %mul3A_269 = arith.constant 128 : i32
              %mul3A_270 = arith.muli %select_n3A_268, %mul3A_269 : i32
              %multiple_of3A = tpu.assume_multiple %mul3A_270, 128 : i32
              %dma_start3A = arith.constant 2 : i32
              %dma_start3A_271 = arith.constant 0 : i32
              %dma_start3A_272 = tpu.memref_slice %arg8[%dma_start3A, %dma_start3A_271] : memref<4x128xf32, #tpu.memory_space<vmem>> -> memref<1x128xf32, #tpu.memory_space<vmem>>
              %dma_start3A_273 = tpu.memref_squeeze %dma_start3A_272 : memref<1x128xf32, #tpu.memory_space<vmem>> -> memref<128xf32, #tpu.memory_space<vmem>>
              %dma_start3A_274 = tpu.memref_slice %arg3[%reduce_max3A_116, %multiple_of3A] : memref<1024x100000xf32, #tpu.memory_space<hbm>> -> memref<1x128xf32, #tpu.memory_space<hbm>>
              %dma_start3A_275 = tpu.memref_squeeze %dma_start3A_274 : memref<1x128xf32, #tpu.memory_space<hbm>> -> memref<128xf32, #tpu.memory_space<hbm>>
              %dma_start3A_276 = tpu.memref_slice %arg3[%reduce_max3A_116, %multiple_of3A] : memref<1024x100000xf32, #tpu.memory_space<hbm>> -> memref<1x128xf32, #tpu.memory_space<hbm>>
              %dma_start3A_277 = tpu.memref_squeeze %dma_start3A_276 : memref<1x128xf32, #tpu.memory_space<hbm>> -> memref<128xf32, #tpu.memory_space<hbm>>
              %dma_start3A_278 = arith.constant 0 : i32
              %dma_start3A_279 = tpu.memref_slice %arg8[%dma_start3A, %dma_start3A_278] : memref<4x128xf32, #tpu.memory_space<vmem>> -> memref<1x128xf32, #tpu.memory_space<vmem>>
              %dma_start3A_280 = tpu.memref_squeeze %dma_start3A_279 : memref<1x128xf32, #tpu.memory_space<vmem>> -> memref<128xf32, #tpu.memory_space<vmem>>
              tpu.enqueue_dma source(%dma_start3A_280 : memref<128xf32, #tpu.memory_space<vmem>>) target(%dma_start3A_277 : memref<128xf32, #tpu.memory_space<hbm>>) target_semaphore(%arg11 : memref<!tpu.dma_semaphore, #tpu.memory_space<semaphore_mem>>)
            }
          } else {
            %eq3A_185 = arith.constant 0 : i32
            %eq3A_186 = arith.cmpi eq, %rem3A_160, %eq3A_185 : i32
            %select_n3A_187 = arith.select %eq3A_186, %select_n3A_137, %broadcast_in_dim3A_15 : vector<16xf32>
            %swap3A_188 = arith.constant 1 : i32
            %swap3A_189 = arith.index_cast %swap3A_188 : i32 to index
            %swap3A_190 = arith.constant 0 : index
            %swap3A_191 = tpu.vector_load %arg8[%swap3A_189, %swap3A_190] {strides = array<i32>} : memref<4x128xf32, #tpu.memory_space<vmem>>, vector<16xf32>,
            tpu.vector_store %arg8[%swap3A_189, %swap3A_190], %select_n3A_187 {strides = array<i32>} : memref<4x128xf32, #tpu.memory_space<vmem>>, vector<16xf32>,
            %eq3A_192 = arith.constant 1 : i32
            %eq3A_193 = arith.cmpi eq, %rem3A_160, %eq3A_192 : i32
            %select_n3A_194 = arith.select %eq3A_193, %select_n3A_137, %broadcast_in_dim3A_15 : vector<16xf32>
            %swap3A_195 = arith.constant 1 : i32
            %swap3A_196 = arith.index_cast %swap3A_195 : i32 to index
            %swap3A_197 = arith.constant 16 : index
            %swap3A_198 = tpu.vector_load %arg8[%swap3A_196, %swap3A_197] {strides = array<i32>} : memref<4x128xf32, #tpu.memory_space<vmem>>, vector<16xf32>,
            tpu.vector_store %arg8[%swap3A_196, %swap3A_197], %select_n3A_194 {strides = array<i32>} : memref<4x128xf32, #tpu.memory_space<vmem>>, vector<16xf32>,
            %eq3A_199 = arith.constant 2 : i32
            %eq3A_200 = arith.cmpi eq, %rem3A_160, %eq3A_199 : i32
            %select_n3A_201 = arith.select %eq3A_200, %select_n3A_137, %broadcast_in_dim3A_15 : vector<16xf32>
            %swap3A_202 = arith.constant 1 : i32
            %swap3A_203 = arith.index_cast %swap3A_202 : i32 to index
            %swap3A_204 = arith.constant 32 : index
            %swap3A_205 = tpu.vector_load %arg8[%swap3A_203, %swap3A_204] {strides = array<i32>} : memref<4x128xf32, #tpu.memory_space<vmem>>, vector<16xf32>,
            tpu.vector_store %arg8[%swap3A_203, %swap3A_204], %select_n3A_201 {strides = array<i32>} : memref<4x128xf32, #tpu.memory_space<vmem>>, vector<16xf32>,
            %eq3A_206 = arith.constant 3 : i32
            %eq3A_207 = arith.cmpi eq, %rem3A_160, %eq3A_206 : i32
            %select_n3A_208 = arith.select %eq3A_207, %select_n3A_137, %broadcast_in_dim3A_15 : vector<16xf32>
            %swap3A_209 = arith.constant 1 : i32
            %swap3A_210 = arith.index_cast %swap3A_209 : i32 to index
            %swap3A_211 = arith.constant 48 : index
            %swap3A_212 = tpu.vector_load %arg8[%swap3A_210, %swap3A_211] {strides = array<i32>} : memref<4x128xf32, #tpu.memory_space<vmem>>, vector<16xf32>,
            tpu.vector_store %arg8[%swap3A_210, %swap3A_211], %select_n3A_208 {strides = array<i32>} : memref<4x128xf32, #tpu.memory_space<vmem>>, vector<16xf32>,
            %eq3A_213 = arith.constant 4 : i32
            %eq3A_214 = arith.cmpi eq, %rem3A_160, %eq3A_213 : i32
            %select_n3A_215 = arith.select %eq3A_214, %select_n3A_137, %broadcast_in_dim3A_15 : vector<16xf32>
            %swap3A_216 = arith.constant 1 : i32
            %swap3A_217 = arith.index_cast %swap3A_216 : i32 to index
            %swap3A_218 = arith.constant 64 : index
            %swap3A_219 = tpu.vector_load %arg8[%swap3A_217, %swap3A_218] {strides = array<i32>} : memref<4x128xf32, #tpu.memory_space<vmem>>, vector<16xf32>,
            tpu.vector_store %arg8[%swap3A_217, %swap3A_218], %select_n3A_215 {strides = array<i32>} : memref<4x128xf32, #tpu.memory_space<vmem>>, vector<16xf32>,
            %eq3A_220 = arith.constant 5 : i32
            %eq3A_221 = arith.cmpi eq, %rem3A_160, %eq3A_220 : i32
            %select_n3A_222 = arith.select %eq3A_221, %select_n3A_137, %broadcast_in_dim3A_15 : vector<16xf32>
            %swap3A_223 = arith.constant 1 : i32
            %swap3A_224 = arith.index_cast %swap3A_223 : i32 to index
            %swap3A_225 = arith.constant 80 : index
            %swap3A_226 = tpu.vector_load %arg8[%swap3A_224, %swap3A_225] {strides = array<i32>} : memref<4x128xf32, #tpu.memory_space<vmem>>, vector<16xf32>,
            tpu.vector_store %arg8[%swap3A_224, %swap3A_225], %select_n3A_222 {strides = array<i32>} : memref<4x128xf32, #tpu.memory_space<vmem>>, vector<16xf32>,
            %eq3A_227 = arith.constant 6 : i32
            %eq3A_228 = arith.cmpi eq, %rem3A_160, %eq3A_227 : i32
            %select_n3A_229 = arith.select %eq3A_228, %select_n3A_137, %broadcast_in_dim3A_15 : vector<16xf32>
            %swap3A_230 = arith.constant 1 : i32
            %swap3A_231 = arith.index_cast %swap3A_230 : i32 to index
            %swap3A_232 = arith.constant 96 : index
            %swap3A_233 = tpu.vector_load %arg8[%swap3A_231, %swap3A_232] {strides = array<i32>} : memref<4x128xf32, #tpu.memory_space<vmem>>, vector<16xf32>,
            tpu.vector_store %arg8[%swap3A_231, %swap3A_232], %select_n3A_229 {strides = array<i32>} : memref<4x128xf32, #tpu.memory_space<vmem>>, vector<16xf32>,
            %eq3A_234 = arith.constant 7 : i32
            %eq3A_235 = arith.cmpi eq, %rem3A_160, %eq3A_234 : i32
            %select_n3A_236 = arith.select %eq3A_235, %select_n3A_137, %broadcast_in_dim3A_15 : vector<16xf32>
            %swap3A_237 = arith.constant 1 : i32
            %swap3A_238 = arith.index_cast %swap3A_237 : i32 to index
            %swap3A_239 = arith.constant 112 : index
            %swap3A_240 = tpu.vector_load %arg8[%swap3A_238, %swap3A_239] {strides = array<i32>} : memref<4x128xf32, #tpu.memory_space<vmem>>, vector<16xf32>,
            tpu.vector_store %arg8[%swap3A_238, %swap3A_239], %select_n3A_236 {strides = array<i32>} : memref<4x128xf32, #tpu.memory_space<vmem>>, vector<16xf32>,
            %jit3A_241 = arith.constant 128 : i32
            %div3A_242 = arith.divsi %reduce_max3A_129, %jit3A_241 : i32
            %sign3A_243 = arith.constant 0 : i32
            %sign3A_244 = arith.cmpi sgt, %reduce_max3A_129, %sign3A_243 : i32
            %sign3A_245 = arith.extui %sign3A_244 : i1 to i32
            %sign3A_246 = arith.constant 0 : i32
            %sign3A_247 = arith.cmpi slt, %reduce_max3A_129, %sign3A_246 : i32
            %sign3A_248 = arith.extui %sign3A_247 : i1 to i32
            %sign3A_249 = arith.subi %sign3A_245, %sign3A_248 : i32
            %sign3A_250 = arith.constant 0 : i32
            %sign3A_251 = arith.cmpi sgt, %jit3A_241, %sign3A_250 : i32
            %sign3A_252 = arith.extui %sign3A_251 : i1 to i32
            %sign3A_253 = arith.constant 0 : i32
            %sign3A_254 = arith.cmpi slt, %jit3A_241, %sign3A_253 : i32
            %sign3A_255 = arith.extui %sign3A_254 : i1 to i32
            %sign3A_256 = arith.subi %sign3A_252, %sign3A_255 : i32
            %ne3A_257 = arith.cmpi ne, %sign3A_249, %sign3A_256 : i32
            %rem3A_258 = arith.remsi %reduce_max3A_129, %jit3A_241 : i32
            %ne3A_259 = arith.constant 0 : i32
            %ne3A_260 = arith.cmpi ne, %rem3A_258, %ne3A_259 : i32
            %and3A_261 = arith.andi %ne3A_257, %ne3A_260 : i1
            %sub3A_262 = arith.constant 1 : i32
            %sub3A_263 = arith.subi %div3A_242, %sub3A_262 : i32
            %select_n3A_264 = arith.select %and3A_261, %sub3A_263, %div3A_242 : i32
            %mul3A_265 = arith.constant 128 : i32
            %mul3A_266 = arith.muli %select_n3A_264, %mul3A_265 : i32
            %multiple_of3A = tpu.assume_multiple %mul3A_266, 128 : i32
            %dma_start3A = arith.constant 1 : i32
            %dma_start3A_267 = arith.constant 0 : i32
            %dma_start3A_268 = tpu.memref_slice %arg8[%dma_start3A, %dma_start3A_267] : memref<4x128xf32, #tpu.memory_space<vmem>> -> memref<1x128xf32, #tpu.memory_space<vmem>>
            %dma_start3A_269 = tpu.memref_squeeze %dma_start3A_268 : memref<1x128xf32, #tpu.memory_space<vmem>> -> memref<128xf32, #tpu.memory_space<vmem>>
            %dma_start3A_270 = tpu.memref_slice %arg3[%reduce_max3A_116, %multiple_of3A] : memref<1024x100000xf32, #tpu.memory_space<hbm>> -> memref<1x128xf32, #tpu.memory_space<hbm>>
            %dma_start3A_271 = tpu.memref_squeeze %dma_start3A_270 : memref<1x128xf32, #tpu.memory_space<hbm>> -> memref<128xf32, #tpu.memory_space<hbm>>
            %dma_start3A_272 = tpu.memref_slice %arg3[%reduce_max3A_116, %multiple_of3A] : memref<1024x100000xf32, #tpu.memory_space<hbm>> -> memref<1x128xf32, #tpu.memory_space<hbm>>
            %dma_start3A_273 = tpu.memref_squeeze %dma_start3A_272 : memref<1x128xf32, #tpu.memory_space<hbm>> -> memref<128xf32, #tpu.memory_space<hbm>>
            %dma_start3A_274 = arith.constant 0 : i32
            %dma_start3A_275 = tpu.memref_slice %arg8[%dma_start3A, %dma_start3A_274] : memref<4x128xf32, #tpu.memory_space<vmem>> -> memref<1x128xf32, #tpu.memory_space<vmem>>
            %dma_start3A_276 = tpu.memref_squeeze %dma_start3A_275 : memref<1x128xf32, #tpu.memory_space<vmem>> -> memref<128xf32, #tpu.memory_space<vmem>>
            tpu.enqueue_dma source(%dma_start3A_276 : memref<128xf32, #tpu.memory_space<vmem>>) target(%dma_start3A_273 : memref<128xf32, #tpu.memory_space<hbm>>) target_semaphore(%arg11 : memref<!tpu.dma_semaphore, #tpu.memory_space<semaphore_mem>>)
          }
        } else {
          %eq3A_181 = arith.constant 0 : i32
          %eq3A_182 = arith.cmpi eq, %rem3A_160, %eq3A_181 : i32
          %select_n3A_183 = arith.select %eq3A_182, %select_n3A_137, %broadcast_in_dim3A_15 : vector<16xf32>
          %swap3A_184 = arith.constant 0 : i32
          %swap3A_185 = arith.index_cast %swap3A_184 : i32 to index
          %swap3A_186 = arith.constant 0 : index
          %swap3A_187 = tpu.vector_load %arg8[%swap3A_185, %swap3A_186] {strides = array<i32>} : memref<4x128xf32, #tpu.memory_space<vmem>>, vector<16xf32>,
          tpu.vector_store %arg8[%swap3A_185, %swap3A_186], %select_n3A_183 {strides = array<i32>} : memref<4x128xf32, #tpu.memory_space<vmem>>, vector<16xf32>,
          %eq3A_188 = arith.constant 1 : i32
          %eq3A_189 = arith.cmpi eq, %rem3A_160, %eq3A_188 : i32
          %select_n3A_190 = arith.select %eq3A_189, %select_n3A_137, %broadcast_in_dim3A_15 : vector<16xf32>
          %swap3A_191 = arith.constant 0 : i32
          %swap3A_192 = arith.index_cast %swap3A_191 : i32 to index
          %swap3A_193 = arith.constant 16 : index
          %swap3A_194 = tpu.vector_load %arg8[%swap3A_192, %swap3A_193] {strides = array<i32>} : memref<4x128xf32, #tpu.memory_space<vmem>>, vector<16xf32>,
          tpu.vector_store %arg8[%swap3A_192, %swap3A_193], %select_n3A_190 {strides = array<i32>} : memref<4x128xf32, #tpu.memory_space<vmem>>, vector<16xf32>,
          %eq3A_195 = arith.constant 2 : i32
          %eq3A_196 = arith.cmpi eq, %rem3A_160, %eq3A_195 : i32
          %select_n3A_197 = arith.select %eq3A_196, %select_n3A_137, %broadcast_in_dim3A_15 : vector<16xf32>
          %swap3A_198 = arith.constant 0 : i32
          %swap3A_199 = arith.index_cast %swap3A_198 : i32 to index
          %swap3A_200 = arith.constant 32 : index
          %swap3A_201 = tpu.vector_load %arg8[%swap3A_199, %swap3A_200] {strides = array<i32>} : memref<4x128xf32, #tpu.memory_space<vmem>>, vector<16xf32>,
          tpu.vector_store %arg8[%swap3A_199, %swap3A_200], %select_n3A_197 {strides = array<i32>} : memref<4x128xf32, #tpu.memory_space<vmem>>, vector<16xf32>,
          %eq3A_202 = arith.constant 3 : i32
          %eq3A_203 = arith.cmpi eq, %rem3A_160, %eq3A_202 : i32
          %select_n3A_204 = arith.select %eq3A_203, %select_n3A_137, %broadcast_in_dim3A_15 : vector<16xf32>
          %swap3A_205 = arith.constant 0 : i32
          %swap3A_206 = arith.index_cast %swap3A_205 : i32 to index
          %swap3A_207 = arith.constant 48 : index
          %swap3A_208 = tpu.vector_load %arg8[%swap3A_206, %swap3A_207] {strides = array<i32>} : memref<4x128xf32, #tpu.memory_space<vmem>>, vector<16xf32>,
          tpu.vector_store %arg8[%swap3A_206, %swap3A_207], %select_n3A_204 {strides = array<i32>} : memref<4x128xf32, #tpu.memory_space<vmem>>, vector<16xf32>,
          %eq3A_209 = arith.constant 4 : i32
          %eq3A_210 = arith.cmpi eq, %rem3A_160, %eq3A_209 : i32
          %select_n3A_211 = arith.select %eq3A_210, %select_n3A_137, %broadcast_in_dim3A_15 : vector<16xf32>
          %swap3A_212 = arith.constant 0 : i32
          %swap3A_213 = arith.index_cast %swap3A_212 : i32 to index
          %swap3A_214 = arith.constant 64 : index
          %swap3A_215 = tpu.vector_load %arg8[%swap3A_213, %swap3A_214] {strides = array<i32>} : memref<4x128xf32, #tpu.memory_space<vmem>>, vector<16xf32>,
          tpu.vector_store %arg8[%swap3A_213, %swap3A_214], %select_n3A_211 {strides = array<i32>} : memref<4x128xf32, #tpu.memory_space<vmem>>, vector<16xf32>,
          %eq3A_216 = arith.constant 5 : i32
          %eq3A_217 = arith.cmpi eq, %rem3A_160, %eq3A_216 : i32
          %select_n3A_218 = arith.select %eq3A_217, %select_n3A_137, %broadcast_in_dim3A_15 : vector<16xf32>
          %swap3A_219 = arith.constant 0 : i32
          %swap3A_220 = arith.index_cast %swap3A_219 : i32 to index
          %swap3A_221 = arith.constant 80 : index
          %swap3A_222 = tpu.vector_load %arg8[%swap3A_220, %swap3A_221] {strides = array<i32>} : memref<4x128xf32, #tpu.memory_space<vmem>>, vector<16xf32>,
          tpu.vector_store %arg8[%swap3A_220, %swap3A_221], %select_n3A_218 {strides = array<i32>} : memref<4x128xf32, #tpu.memory_space<vmem>>, vector<16xf32>,
          %eq3A_223 = arith.constant 6 : i32
          %eq3A_224 = arith.cmpi eq, %rem3A_160, %eq3A_223 : i32
          %select_n3A_225 = arith.select %eq3A_224, %select_n3A_137, %broadcast_in_dim3A_15 : vector<16xf32>
          %swap3A_226 = arith.constant 0 : i32
          %swap3A_227 = arith.index_cast %swap3A_226 : i32 to index
          %swap3A_228 = arith.constant 96 : index
          %swap3A_229 = tpu.vector_load %arg8[%swap3A_227, %swap3A_228] {strides = array<i32>} : memref<4x128xf32, #tpu.memory_space<vmem>>, vector<16xf32>,
          tpu.vector_store %arg8[%swap3A_227, %swap3A_228], %select_n3A_225 {strides = array<i32>} : memref<4x128xf32, #tpu.memory_space<vmem>>, vector<16xf32>,
          %eq3A_230 = arith.constant 7 : i32
          %eq3A_231 = arith.cmpi eq, %rem3A_160, %eq3A_230 : i32
          %select_n3A_232 = arith.select %eq3A_231, %select_n3A_137, %broadcast_in_dim3A_15 : vector<16xf32>
          %swap3A_233 = arith.constant 0 : i32
          %swap3A_234 = arith.index_cast %swap3A_233 : i32 to index
          %swap3A_235 = arith.constant 112 : index
          %swap3A_236 = tpu.vector_load %arg8[%swap3A_234, %swap3A_235] {strides = array<i32>} : memref<4x128xf32, #tpu.memory_space<vmem>>, vector<16xf32>,
          tpu.vector_store %arg8[%swap3A_234, %swap3A_235], %select_n3A_232 {strides = array<i32>} : memref<4x128xf32, #tpu.memory_space<vmem>>, vector<16xf32>,
          %jit3A_237 = arith.constant 128 : i32
          %div3A_238 = arith.divsi %reduce_max3A_129, %jit3A_237 : i32
          %sign3A_239 = arith.constant 0 : i32
          %sign3A_240 = arith.cmpi sgt, %reduce_max3A_129, %sign3A_239 : i32
          %sign3A_241 = arith.extui %sign3A_240 : i1 to i32
          %sign3A_242 = arith.constant 0 : i32
          %sign3A_243 = arith.cmpi slt, %reduce_max3A_129, %sign3A_242 : i32
          %sign3A_244 = arith.extui %sign3A_243 : i1 to i32
          %sign3A_245 = arith.subi %sign3A_241, %sign3A_244 : i32
          %sign3A_246 = arith.constant 0 : i32
          %sign3A_247 = arith.cmpi sgt, %jit3A_237, %sign3A_246 : i32
          %sign3A_248 = arith.extui %sign3A_247 : i1 to i32
          %sign3A_249 = arith.constant 0 : i32
          %sign3A_250 = arith.cmpi slt, %jit3A_237, %sign3A_249 : i32
          %sign3A_251 = arith.extui %sign3A_250 : i1 to i32
          %sign3A_252 = arith.subi %sign3A_248, %sign3A_251 : i32
          %ne3A_253 = arith.cmpi ne, %sign3A_245, %sign3A_252 : i32
          %rem3A_254 = arith.remsi %reduce_max3A_129, %jit3A_237 : i32
          %ne3A_255 = arith.constant 0 : i32
          %ne3A_256 = arith.cmpi ne, %rem3A_254, %ne3A_255 : i32
          %and3A_257 = arith.andi %ne3A_253, %ne3A_256 : i1
          %sub3A_258 = arith.constant 1 : i32
          %sub3A_259 = arith.subi %div3A_238, %sub3A_258 : i32
          %select_n3A_260 = arith.select %and3A_257, %sub3A_259, %div3A_238 : i32
          %mul3A_261 = arith.constant 128 : i32
          %mul3A_262 = arith.muli %select_n3A_260, %mul3A_261 : i32
          %multiple_of3A = tpu.assume_multiple %mul3A_262, 128 : i32
          %dma_start3A = arith.constant 0 : i32
          %dma_start3A_263 = arith.constant 0 : i32
          %dma_start3A_264 = tpu.memref_slice %arg8[%dma_start3A, %dma_start3A_263] : memref<4x128xf32, #tpu.memory_space<vmem>> -> memref<1x128xf32, #tpu.memory_space<vmem>>
          %dma_start3A_265 = tpu.memref_squeeze %dma_start3A_264 : memref<1x128xf32, #tpu.memory_space<vmem>> -> memref<128xf32, #tpu.memory_space<vmem>>
          %dma_start3A_266 = tpu.memref_slice %arg3[%reduce_max3A_116, %multiple_of3A] : memref<1024x100000xf32, #tpu.memory_space<hbm>> -> memref<1x128xf32, #tpu.memory_space<hbm>>
          %dma_start3A_267 = tpu.memref_squeeze %dma_start3A_266 : memref<1x128xf32, #tpu.memory_space<hbm>> -> memref<128xf32, #tpu.memory_space<hbm>>
          %dma_start3A_268 = tpu.memref_slice %arg3[%reduce_max3A_116, %multiple_of3A] : memref<1024x100000xf32, #tpu.memory_space<hbm>> -> memref<1x128xf32, #tpu.memory_space<hbm>>
          %dma_start3A_269 = tpu.memref_squeeze %dma_start3A_268 : memref<1x128xf32, #tpu.memory_space<hbm>> -> memref<128xf32, #tpu.memory_space<hbm>>
          %dma_start3A_270 = arith.constant 0 : i32
          %dma_start3A_271 = tpu.memref_slice %arg8[%dma_start3A, %dma_start3A_270] : memref<4x128xf32, #tpu.memory_space<vmem>> -> memref<1x128xf32, #tpu.memory_space<vmem>>
          %dma_start3A_272 = tpu.memref_squeeze %dma_start3A_271 : memref<1x128xf32, #tpu.memory_space<vmem>> -> memref<128xf32, #tpu.memory_space<vmem>>
          tpu.enqueue_dma source(%dma_start3A_272 : memref<128xf32, #tpu.memory_space<vmem>>) target(%dma_start3A_269 : memref<128xf32, #tpu.memory_space<hbm>>) target_semaphore(%arg11 : memref<!tpu.dma_semaphore, #tpu.memory_space<semaphore_mem>>)
        }
        %jit3A_173 = arith.constant 0 : i32
        %jit3A_174 = arith.constant 1 : i32
        %select_n3A_175 = arith.select %ge3A_162, %jit3A_173, %jit3A_174 : i32
        %add3A_176 = arith.addi %while3A_102, %select_n3A_175 : i32
        %jit3A_177 = arith.constant 1 : i32
        %jit3A_178 = arith.constant 0 : i32
        %select_n3A_179 = arith.select %ge3A_162, %jit3A_177, %jit3A_178 : i32
        %add3A_180 = arith.addi %while3A_103, %select_n3A_179 : i32
        scf.yield %add3A_176, %add3A_180 : i32, i32
      }
      %while3A_99 = arith.constant 1 : i32
      %while3A_100:2 = scf.for %while3A_101 = %while3A_96 to %while3A_92 step %while3A_99 iter_args(%while3A_102 = %while3A_98#0, %while3A_103 = %while3A_98#1) -> (i32, i32)  : i32 {
        %eq3A_104 = vector.broadcast %while3A_101 : i32 to vector<16xi32>
        %eq3A_105 = arith.cmpi eq, %iota3A, %eq3A_104 : vector<16xi32>
        %jit3A_106 = arith.constant 0 : i32
        %broadcast_in_dim3A_107 = vector.broadcast %jit3A_106 : i32 to vector<16xi32>
        %select_n3A_108 = arith.select %eq3A_105, %get3A_87, %broadcast_in_dim3A_107 : vector<16xi1>, vector<16xi32>
        %reduce_max3A_109 = arith.constant true
        %reduce_max3A_110 = vector.broadcast %reduce_max3A_109 : i1 to vector<16xi1>
        %reduce_max3A_111 = arith.constant -2147483648 : i32
        %reduce_max3A_112 = vector.broadcast %reduce_max3A_111 : i32 to vector<16xi32>
        %reduce_max3A_113 = arith.xori %select_n3A_108, %reduce_max3A_112 : vector<16xi32>
        %reduce_max3A_114 = tpu.scan <max>, %reduce_max3A_113 masked %reduce_max3A_110 : vector<16xi32>, vector<16xi1> -> vector<16xi32>
        %reduce_max3A_115 = arith.xori %reduce_max3A_114, %reduce_max3A_112 : vector<16xi32>
        %reduce_max3A_116 = vector.extract %reduce_max3A_115[15] : i32 from vector<16xi32>
        %eq3A_117 = vector.broadcast %while3A_101 : i32 to vector<16xi32>
        %eq3A_118 = arith.cmpi eq, %iota3A, %eq3A_117 : vector<16xi32>
        %jit3A_119 = arith.constant 0 : i32
        %broadcast_in_dim3A_120 = vector.broadcast %jit3A_119 : i32 to vector<16xi32>
        %select_n3A_121 = arith.select %eq3A_118, %get3A_89, %broadcast_in_dim3A_120 : vector<16xi1>, vector<16xi32>
        %reduce_max3A_122 = arith.constant true
        %reduce_max3A_123 = vector.broadcast %reduce_max3A_122 : i1 to vector<16xi1>
        %reduce_max3A_124 = arith.constant -2147483648 : i32
        %reduce_max3A_125 = vector.broadcast %reduce_max3A_124 : i32 to vector<16xi32>
        %reduce_max3A_126 = arith.xori %select_n3A_121, %reduce_max3A_125 : vector<16xi32>
        %reduce_max3A_127 = tpu.scan <max>, %reduce_max3A_126 masked %reduce_max3A_123 : vector<16xi32>, vector<16xi1> -> vector<16xi32>
        %reduce_max3A_128 = arith.xori %reduce_max3A_127, %reduce_max3A_125 : vector<16xi32>
        %reduce_max3A_129 = vector.extract %reduce_max3A_128[15] : i32 from vector<16xi32>
        %rem3A = arith.constant 16 : i32
        %rem3A_130 = arith.remsi %reduce_max3A_129, %rem3A : i32
        %eq3A_131 = vector.broadcast %rem3A_130 : i32 to vector<16xi32>
        %eq3A_132 = arith.cmpi eq, %iota3A, %eq3A_131 : vector<16xi32>
        %jit3A_133 = arith.constant 1.000000e+00 : f32
        %jit3A_134 = arith.constant 0.000000e+00 : f32
        %broadcast_in_dim3A_135 = vector.broadcast %jit3A_133 : f32 to vector<16xf32>
        %broadcast_in_dim3A_136 = vector.broadcast %jit3A_134 : f32 to vector<16xf32>
        %select_n3A_137 = arith.select %eq3A_132, %broadcast_in_dim3A_135, %broadcast_in_dim3A_136 : vector<16xi1>, vector<16xf32>
        %jit3A_138 = arith.constant 16 : i32
        %div3A = arith.divsi %reduce_max3A_129, %jit3A_138 : i32
        %sign3A = arith.constant 0 : i32
        %sign3A_139 = arith.cmpi sgt, %reduce_max3A_129, %sign3A : i32
        %sign3A_140 = arith.extui %sign3A_139 : i1 to i32
        %sign3A_141 = arith.constant 0 : i32
        %sign3A_142 = arith.cmpi slt, %reduce_max3A_129, %sign3A_141 : i32
        %sign3A_143 = arith.extui %sign3A_142 : i1 to i32
        %sign3A_144 = arith.subi %sign3A_140, %sign3A_143 : i32
        %sign3A_145 = arith.constant 0 : i32
        %sign3A_146 = arith.cmpi sgt, %jit3A_138, %sign3A_145 : i32
        %sign3A_147 = arith.extui %sign3A_146 : i1 to i32
        %sign3A_148 = arith.constant 0 : i32
        %sign3A_149 = arith.cmpi slt, %jit3A_138, %sign3A_148 : i32
        %sign3A_150 = arith.extui %sign3A_149 : i1 to i32
        %sign3A_151 = arith.subi %sign3A_147, %sign3A_150 : i32
        %ne3A_152 = arith.cmpi ne, %sign3A_144, %sign3A_151 : i32
        %rem3A_153 = arith.remsi %reduce_max3A_129, %jit3A_138 : i32
        %ne3A_154 = arith.constant 0 : i32
        %ne3A_155 = arith.cmpi ne, %rem3A_153, %ne3A_154 : i32
        %and3A_156 = arith.andi %ne3A_152, %ne3A_155 : i1
        %sub3A = arith.constant 1 : i32
        %sub3A_157 = arith.subi %div3A, %sub3A : i32
        %select_n3A_158 = arith.select %and3A_156, %sub3A_157, %div3A : i32
        %rem3A_159 = arith.constant 8 : i32
        %rem3A_160 = arith.remsi %select_n3A_158, %rem3A_159 : i32
        %ge3A_161 = arith.constant 99968 : i32
        %ge3A_162 = arith.cmpi sge, %reduce_max3A_129, %ge3A_161 : i32
        %rem3A_163 = arith.constant 4 : i32
        %rem3A_164 = arith.remsi %while3A_102, %rem3A_163 : i32
        %ge3A_165 = arith.constant 4 : i32
        %ge3A_166 = arith.cmpi sge, %while3A_102, %ge3A_165 : i32
        %convert_element_type3A = arith.extui %ge3A_166 : i1 to i32
        %cond3A = arith.constant 0 : i32
        %cond3A_167 = arith.cmpi ne, %convert_element_type3A, %cond3A : i32
        scf.if %cond3A_167 {
          %dma_wait3A = arith.constant 0 : i32
          %dma_wait3A_181 = arith.constant 0 : i32
          %dma_wait3A_182 = arith.constant 0 : i32
          %dma_wait3A_183 = tpu.memref_slice %arg8[%dma_wait3A, %dma_wait3A_182] : memref<4x128xf32, #tpu.memory_space<vmem>> -> memref<1x128xf32, #tpu.memory_space<vmem>>
          %dma_wait3A_184 = tpu.memref_squeeze %dma_wait3A_183 : memref<1x128xf32, #tpu.memory_space<vmem>> -> memref<128xf32, #tpu.memory_space<vmem>>
          %dma_wait3A_185 = arith.constant 0 : i32
          %dma_wait3A_186 = tpu.memref_slice %arg3[%dma_wait3A_181, %dma_wait3A_185] : memref<1024x100000xf32, #tpu.memory_space<hbm>> -> memref<1x128xf32, #tpu.memory_space<hbm>>
          %dma_wait3A_187 = tpu.memref_squeeze %dma_wait3A_186 : memref<1x128xf32, #tpu.memory_space<hbm>> -> memref<128xf32, #tpu.memory_space<hbm>>
          %dma_wait3A_188 = arith.constant 0 : i32
          %dma_wait3A_189 = tpu.memref_slice %arg3[%dma_wait3A_181, %dma_wait3A_188] : memref<1024x100000xf32, #tpu.memory_space<hbm>> -> memref<1x128xf32, #tpu.memory_space<hbm>>
          %dma_wait3A_190 = tpu.memref_squeeze %dma_wait3A_189 : memref<1x128xf32, #tpu.memory_space<hbm>> -> memref<128xf32, #tpu.memory_space<hbm>>
          %dma_wait3A_191 = arith.constant 0 : i32
          %dma_wait3A_192 = tpu.memref_slice %arg8[%dma_wait3A, %dma_wait3A_191] : memref<4x128xf32, #tpu.memory_space<vmem>> -> memref<1x128xf32, #tpu.memory_space<vmem>>
          %dma_wait3A_193 = tpu.memref_squeeze %dma_wait3A_192 : memref<1x128xf32, #tpu.memory_space<vmem>> -> memref<128xf32, #tpu.memory_space<vmem>>
          tpu.wait_dma2 semaphore(%arg11 : memref<!tpu.dma_semaphore, #tpu.memory_space<semaphore_mem>>) src(%dma_wait3A_193 : memref<128xf32, #tpu.memory_space<vmem>>) dst(%dma_wait3A_190 : memref<128xf32, #tpu.memory_space<hbm>>)
        } else {
        }
        %clamp3A = arith.constant 0 : i32
        %clamp3A_168 = arith.constant 3 : i32
        %clamp3A_169 = arith.maxsi %rem3A_164, %clamp3A : i32
        %clamp3A_170 = arith.minsi %clamp3A_169, %clamp3A_168 : i32
        %cond3A_171 = arith.constant 0 : i32
        %cond3A_172 = arith.cmpi ne, %clamp3A_170, %cond3A_171 : i32
        scf.if %cond3A_172 {
          %cond3A_181 = arith.constant 1 : i32
          %cond3A_182 = arith.subi %clamp3A_170, %cond3A_181 : i32
          %cond3A_183 = arith.constant 0 : i32
          %cond3A_184 = arith.cmpi ne, %cond3A_182, %cond3A_183 : i32
          scf.if %cond3A_184 {
            %cond3A_185 = arith.constant 1 : i32
            %cond3A_186 = arith.subi %cond3A_182, %cond3A_185 : i32
            %cond3A_187 = arith.constant 0 : i32
            %cond3A_188 = arith.cmpi ne, %cond3A_186, %cond3A_187 : i32
            scf.if %cond3A_188 {
              %eq3A_189 = arith.constant 0 : i32
              %eq3A_190 = arith.cmpi eq, %rem3A_160, %eq3A_189 : i32
              %select_n3A_191 = arith.select %eq3A_190, %select_n3A_137, %broadcast_in_dim3A_15 : vector<16xf32>
              %swap3A_192 = arith.constant 3 : i32
              %swap3A_193 = arith.index_cast %swap3A_192 : i32 to index
              %swap3A_194 = arith.constant 0 : index
              %swap3A_195 = tpu.vector_load %arg8[%swap3A_193, %swap3A_194] {strides = array<i32>} : memref<4x128xf32, #tpu.memory_space<vmem>>, vector<16xf32>,
              tpu.vector_store %arg8[%swap3A_193, %swap3A_194], %select_n3A_191 {strides = array<i32>} : memref<4x128xf32, #tpu.memory_space<vmem>>, vector<16xf32>,
              %eq3A_196 = arith.constant 1 : i32
              %eq3A_197 = arith.cmpi eq, %rem3A_160, %eq3A_196 : i32
              %select_n3A_198 = arith.select %eq3A_197, %select_n3A_137, %broadcast_in_dim3A_15 : vector<16xf32>
              %swap3A_199 = arith.constant 3 : i32
              %swap3A_200 = arith.index_cast %swap3A_199 : i32 to index
              %swap3A_201 = arith.constant 16 : index
              %swap3A_202 = tpu.vector_load %arg8[%swap3A_200, %swap3A_201] {strides = array<i32>} : memref<4x128xf32, #tpu.memory_space<vmem>>, vector<16xf32>,
              tpu.vector_store %arg8[%swap3A_200, %swap3A_201], %select_n3A_198 {strides = array<i32>} : memref<4x128xf32, #tpu.memory_space<vmem>>, vector<16xf32>,
              %eq3A_203 = arith.constant 2 : i32
              %eq3A_204 = arith.cmpi eq, %rem3A_160, %eq3A_203 : i32
              %select_n3A_205 = arith.select %eq3A_204, %select_n3A_137, %broadcast_in_dim3A_15 : vector<16xf32>
              %swap3A_206 = arith.constant 3 : i32
              %swap3A_207 = arith.index_cast %swap3A_206 : i32 to index
              %swap3A_208 = arith.constant 32 : index
              %swap3A_209 = tpu.vector_load %arg8[%swap3A_207, %swap3A_208] {strides = array<i32>} : memref<4x128xf32, #tpu.memory_space<vmem>>, vector<16xf32>,
              tpu.vector_store %arg8[%swap3A_207, %swap3A_208], %select_n3A_205 {strides = array<i32>} : memref<4x128xf32, #tpu.memory_space<vmem>>, vector<16xf32>,
              %eq3A_210 = arith.constant 3 : i32
              %eq3A_211 = arith.cmpi eq, %rem3A_160, %eq3A_210 : i32
              %select_n3A_212 = arith.select %eq3A_211, %select_n3A_137, %broadcast_in_dim3A_15 : vector<16xf32>
              %swap3A_213 = arith.constant 3 : i32
              %swap3A_214 = arith.index_cast %swap3A_213 : i32 to index
              %swap3A_215 = arith.constant 48 : index
              %swap3A_216 = tpu.vector_load %arg8[%swap3A_214, %swap3A_215] {strides = array<i32>} : memref<4x128xf32, #tpu.memory_space<vmem>>, vector<16xf32>,
              tpu.vector_store %arg8[%swap3A_214, %swap3A_215], %select_n3A_212 {strides = array<i32>} : memref<4x128xf32, #tpu.memory_space<vmem>>, vector<16xf32>,
              %eq3A_217 = arith.constant 4 : i32
              %eq3A_218 = arith.cmpi eq, %rem3A_160, %eq3A_217 : i32
              %select_n3A_219 = arith.select %eq3A_218, %select_n3A_137, %broadcast_in_dim3A_15 : vector<16xf32>
              %swap3A_220 = arith.constant 3 : i32
              %swap3A_221 = arith.index_cast %swap3A_220 : i32 to index
              %swap3A_222 = arith.constant 64 : index
              %swap3A_223 = tpu.vector_load %arg8[%swap3A_221, %swap3A_222] {strides = array<i32>} : memref<4x128xf32, #tpu.memory_space<vmem>>, vector<16xf32>,
              tpu.vector_store %arg8[%swap3A_221, %swap3A_222], %select_n3A_219 {strides = array<i32>} : memref<4x128xf32, #tpu.memory_space<vmem>>, vector<16xf32>,
              %eq3A_224 = arith.constant 5 : i32
              %eq3A_225 = arith.cmpi eq, %rem3A_160, %eq3A_224 : i32
              %select_n3A_226 = arith.select %eq3A_225, %select_n3A_137, %broadcast_in_dim3A_15 : vector<16xf32>
              %swap3A_227 = arith.constant 3 : i32
              %swap3A_228 = arith.index_cast %swap3A_227 : i32 to index
              %swap3A_229 = arith.constant 80 : index
              %swap3A_230 = tpu.vector_load %arg8[%swap3A_228, %swap3A_229] {strides = array<i32>} : memref<4x128xf32, #tpu.memory_space<vmem>>, vector<16xf32>,
              tpu.vector_store %arg8[%swap3A_228, %swap3A_229], %select_n3A_226 {strides = array<i32>} : memref<4x128xf32, #tpu.memory_space<vmem>>, vector<16xf32>,
              %eq3A_231 = arith.constant 6 : i32
              %eq3A_232 = arith.cmpi eq, %rem3A_160, %eq3A_231 : i32
              %select_n3A_233 = arith.select %eq3A_232, %select_n3A_137, %broadcast_in_dim3A_15 : vector<16xf32>
              %swap3A_234 = arith.constant 3 : i32
              %swap3A_235 = arith.index_cast %swap3A_234 : i32 to index
              %swap3A_236 = arith.constant 96 : index
              %swap3A_237 = tpu.vector_load %arg8[%swap3A_235, %swap3A_236] {strides = array<i32>} : memref<4x128xf32, #tpu.memory_space<vmem>>, vector<16xf32>,
              tpu.vector_store %arg8[%swap3A_235, %swap3A_236], %select_n3A_233 {strides = array<i32>} : memref<4x128xf32, #tpu.memory_space<vmem>>, vector<16xf32>,
              %eq3A_238 = arith.constant 7 : i32
              %eq3A_239 = arith.cmpi eq, %rem3A_160, %eq3A_238 : i32
              %select_n3A_240 = arith.select %eq3A_239, %select_n3A_137, %broadcast_in_dim3A_15 : vector<16xf32>
              %swap3A_241 = arith.constant 3 : i32
              %swap3A_242 = arith.index_cast %swap3A_241 : i32 to index
              %swap3A_243 = arith.constant 112 : index
              %swap3A_244 = tpu.vector_load %arg8[%swap3A_242, %swap3A_243] {strides = array<i32>} : memref<4x128xf32, #tpu.memory_space<vmem>>, vector<16xf32>,
              tpu.vector_store %arg8[%swap3A_242, %swap3A_243], %select_n3A_240 {strides = array<i32>} : memref<4x128xf32, #tpu.memory_space<vmem>>, vector<16xf32>,
              %jit3A_245 = arith.constant 128 : i32
              %div3A_246 = arith.divsi %reduce_max3A_129, %jit3A_245 : i32
              %sign3A_247 = arith.constant 0 : i32
              %sign3A_248 = arith.cmpi sgt, %reduce_max3A_129, %sign3A_247 : i32
              %sign3A_249 = arith.extui %sign3A_248 : i1 to i32
              %sign3A_250 = arith.constant 0 : i32
              %sign3A_251 = arith.cmpi slt, %reduce_max3A_129, %sign3A_250 : i32
              %sign3A_252 = arith.extui %sign3A_251 : i1 to i32
              %sign3A_253 = arith.subi %sign3A_249, %sign3A_252 : i32
              %sign3A_254 = arith.constant 0 : i32
              %sign3A_255 = arith.cmpi sgt, %jit3A_245, %sign3A_254 : i32
              %sign3A_256 = arith.extui %sign3A_255 : i1 to i32
              %sign3A_257 = arith.constant 0 : i32
              %sign3A_258 = arith.cmpi slt, %jit3A_245, %sign3A_257 : i32
              %sign3A_259 = arith.extui %sign3A_258 : i1 to i32
              %sign3A_260 = arith.subi %sign3A_256, %sign3A_259 : i32
              %ne3A_261 = arith.cmpi ne, %sign3A_253, %sign3A_260 : i32
              %rem3A_262 = arith.remsi %reduce_max3A_129, %jit3A_245 : i32
              %ne3A_263 = arith.constant 0 : i32
              %ne3A_264 = arith.cmpi ne, %rem3A_262, %ne3A_263 : i32
              %and3A_265 = arith.andi %ne3A_261, %ne3A_264 : i1
              %sub3A_266 = arith.constant 1 : i32
              %sub3A_267 = arith.subi %div3A_246, %sub3A_266 : i32
              %select_n3A_268 = arith.select %and3A_265, %sub3A_267, %div3A_246 : i32
              %mul3A_269 = arith.constant 128 : i32
              %mul3A_270 = arith.muli %select_n3A_268, %mul3A_269 : i32
              %multiple_of3A = tpu.assume_multiple %mul3A_270, 128 : i32
              %dma_start3A = arith.constant 3 : i32
              %dma_start3A_271 = arith.constant 0 : i32
              %dma_start3A_272 = tpu.memref_slice %arg8[%dma_start3A, %dma_start3A_271] : memref<4x128xf32, #tpu.memory_space<vmem>> -> memref<1x128xf32, #tpu.memory_space<vmem>>
              %dma_start3A_273 = tpu.memref_squeeze %dma_start3A_272 : memref<1x128xf32, #tpu.memory_space<vmem>> -> memref<128xf32, #tpu.memory_space<vmem>>
              %dma_start3A_274 = tpu.memref_slice %arg3[%reduce_max3A_116, %multiple_of3A] : memref<1024x100000xf32, #tpu.memory_space<hbm>> -> memref<1x128xf32, #tpu.memory_space<hbm>>
              %dma_start3A_275 = tpu.memref_squeeze %dma_start3A_274 : memref<1x128xf32, #tpu.memory_space<hbm>> -> memref<128xf32, #tpu.memory_space<hbm>>
              %dma_start3A_276 = tpu.memref_slice %arg3[%reduce_max3A_116, %multiple_of3A] : memref<1024x100000xf32, #tpu.memory_space<hbm>> -> memref<1x128xf32, #tpu.memory_space<hbm>>
              %dma_start3A_277 = tpu.memref_squeeze %dma_start3A_276 : memref<1x128xf32, #tpu.memory_space<hbm>> -> memref<128xf32, #tpu.memory_space<hbm>>
              %dma_start3A_278 = arith.constant 0 : i32
              %dma_start3A_279 = tpu.memref_slice %arg8[%dma_start3A, %dma_start3A_278] : memref<4x128xf32, #tpu.memory_space<vmem>> -> memref<1x128xf32, #tpu.memory_space<vmem>>
              %dma_start3A_280 = tpu.memref_squeeze %dma_start3A_279 : memref<1x128xf32, #tpu.memory_space<vmem>> -> memref<128xf32, #tpu.memory_space<vmem>>
              tpu.enqueue_dma source(%dma_start3A_280 : memref<128xf32, #tpu.memory_space<vmem>>) target(%dma_start3A_277 : memref<128xf32, #tpu.memory_space<hbm>>) target_semaphore(%arg11 : memref<!tpu.dma_semaphore, #tpu.memory_space<semaphore_mem>>)
            } else {
              %eq3A_189 = arith.constant 0 : i32
              %eq3A_190 = arith.cmpi eq, %rem3A_160, %eq3A_189 : i32
              %select_n3A_191 = arith.select %eq3A_190, %select_n3A_137, %broadcast_in_dim3A_15 : vector<16xf32>
              %swap3A_192 = arith.constant 2 : i32
              %swap3A_193 = arith.index_cast %swap3A_192 : i32 to index
              %swap3A_194 = arith.constant 0 : index
              %swap3A_195 = tpu.vector_load %arg8[%swap3A_193, %swap3A_194] {strides = array<i32>} : memref<4x128xf32, #tpu.memory_space<vmem>>, vector<16xf32>,
              tpu.vector_store %arg8[%swap3A_193, %swap3A_194], %select_n3A_191 {strides = array<i32>} : memref<4x128xf32, #tpu.memory_space<vmem>>, vector<16xf32>,
              %eq3A_196 = arith.constant 1 : i32
              %eq3A_197 = arith.cmpi eq, %rem3A_160, %eq3A_196 : i32
              %select_n3A_198 = arith.select %eq3A_197, %select_n3A_137, %broadcast_in_dim3A_15 : vector<16xf32>
              %swap3A_199 = arith.constant 2 : i32
              %swap3A_200 = arith.index_cast %swap3A_199 : i32 to index
              %swap3A_201 = arith.constant 16 : index
              %swap3A_202 = tpu.vector_load %arg8[%swap3A_200, %swap3A_201] {strides = array<i32>} : memref<4x128xf32, #tpu.memory_space<vmem>>, vector<16xf32>,
              tpu.vector_store %arg8[%swap3A_200, %swap3A_201], %select_n3A_198 {strides = array<i32>} : memref<4x128xf32, #tpu.memory_space<vmem>>, vector<16xf32>,
              %eq3A_203 = arith.constant 2 : i32
              %eq3A_204 = arith.cmpi eq, %rem3A_160, %eq3A_203 : i32
              %select_n3A_205 = arith.select %eq3A_204, %select_n3A_137, %broadcast_in_dim3A_15 : vector<16xf32>
              %swap3A_206 = arith.constant 2 : i32
              %swap3A_207 = arith.index_cast %swap3A_206 : i32 to index
              %swap3A_208 = arith.constant 32 : index
              %swap3A_209 = tpu.vector_load %arg8[%swap3A_207, %swap3A_208] {strides = array<i32>} : memref<4x128xf32, #tpu.memory_space<vmem>>, vector<16xf32>,
              tpu.vector_store %arg8[%swap3A_207, %swap3A_208], %select_n3A_205 {strides = array<i32>} : memref<4x128xf32, #tpu.memory_space<vmem>>, vector<16xf32>,
              %eq3A_210 = arith.constant 3 : i32
              %eq3A_211 = arith.cmpi eq, %rem3A_160, %eq3A_210 : i32
              %select_n3A_212 = arith.select %eq3A_211, %select_n3A_137, %broadcast_in_dim3A_15 : vector<16xf32>
              %swap3A_213 = arith.constant 2 : i32
              %swap3A_214 = arith.index_cast %swap3A_213 : i32 to index
              %swap3A_215 = arith.constant 48 : index
              %swap3A_216 = tpu.vector_load %arg8[%swap3A_214, %swap3A_215] {strides = array<i32>} : memref<4x128xf32, #tpu.memory_space<vmem>>, vector<16xf32>,
              tpu.vector_store %arg8[%swap3A_214, %swap3A_215], %select_n3A_212 {strides = array<i32>} : memref<4x128xf32, #tpu.memory_space<vmem>>, vector<16xf32>,
              %eq3A_217 = arith.constant 4 : i32
              %eq3A_218 = arith.cmpi eq, %rem3A_160, %eq3A_217 : i32
              %select_n3A_219 = arith.select %eq3A_218, %select_n3A_137, %broadcast_in_dim3A_15 : vector<16xf32>
              %swap3A_220 = arith.constant 2 : i32
              %swap3A_221 = arith.index_cast %swap3A_220 : i32 to index
              %swap3A_222 = arith.constant 64 : index
              %swap3A_223 = tpu.vector_load %arg8[%swap3A_221, %swap3A_222] {strides = array<i32>} : memref<4x128xf32, #tpu.memory_space<vmem>>, vector<16xf32>,
              tpu.vector_store %arg8[%swap3A_221, %swap3A_222], %select_n3A_219 {strides = array<i32>} : memref<4x128xf32, #tpu.memory_space<vmem>>, vector<16xf32>,
              %eq3A_224 = arith.constant 5 : i32
              %eq3A_225 = arith.cmpi eq, %rem3A_160, %eq3A_224 : i32
              %select_n3A_226 = arith.select %eq3A_225, %select_n3A_137, %broadcast_in_dim3A_15 : vector<16xf32>
              %swap3A_227 = arith.constant 2 : i32
              %swap3A_228 = arith.index_cast %swap3A_227 : i32 to index
              %swap3A_229 = arith.constant 80 : index
              %swap3A_230 = tpu.vector_load %arg8[%swap3A_228, %swap3A_229] {strides = array<i32>} : memref<4x128xf32, #tpu.memory_space<vmem>>, vector<16xf32>,
              tpu.vector_store %arg8[%swap3A_228, %swap3A_229], %select_n3A_226 {strides = array<i32>} : memref<4x128xf32, #tpu.memory_space<vmem>>, vector<16xf32>,
              %eq3A_231 = arith.constant 6 : i32
              %eq3A_232 = arith.cmpi eq, %rem3A_160, %eq3A_231 : i32
              %select_n3A_233 = arith.select %eq3A_232, %select_n3A_137, %broadcast_in_dim3A_15 : vector<16xf32>
              %swap3A_234 = arith.constant 2 : i32
              %swap3A_235 = arith.index_cast %swap3A_234 : i32 to index
              %swap3A_236 = arith.constant 96 : index
              %swap3A_237 = tpu.vector_load %arg8[%swap3A_235, %swap3A_236] {strides = array<i32>} : memref<4x128xf32, #tpu.memory_space<vmem>>, vector<16xf32>,
              tpu.vector_store %arg8[%swap3A_235, %swap3A_236], %select_n3A_233 {strides = array<i32>} : memref<4x128xf32, #tpu.memory_space<vmem>>, vector<16xf32>,
              %eq3A_238 = arith.constant 7 : i32
              %eq3A_239 = arith.cmpi eq, %rem3A_160, %eq3A_238 : i32
              %select_n3A_240 = arith.select %eq3A_239, %select_n3A_137, %broadcast_in_dim3A_15 : vector<16xf32>
              %swap3A_241 = arith.constant 2 : i32
              %swap3A_242 = arith.index_cast %swap3A_241 : i32 to index
              %swap3A_243 = arith.constant 112 : index
              %swap3A_244 = tpu.vector_load %arg8[%swap3A_242, %swap3A_243] {strides = array<i32>} : memref<4x128xf32, #tpu.memory_space<vmem>>, vector<16xf32>,
              tpu.vector_store %arg8[%swap3A_242, %swap3A_243], %select_n3A_240 {strides = array<i32>} : memref<4x128xf32, #tpu.memory_space<vmem>>, vector<16xf32>,
              %jit3A_245 = arith.constant 128 : i32
              %div3A_246 = arith.divsi %reduce_max3A_129, %jit3A_245 : i32
              %sign3A_247 = arith.constant 0 : i32
              %sign3A_248 = arith.cmpi sgt, %reduce_max3A_129, %sign3A_247 : i32
              %sign3A_249 = arith.extui %sign3A_248 : i1 to i32
              %sign3A_250 = arith.constant 0 : i32
              %sign3A_251 = arith.cmpi slt, %reduce_max3A_129, %sign3A_250 : i32
              %sign3A_252 = arith.extui %sign3A_251 : i1 to i32
              %sign3A_253 = arith.subi %sign3A_249, %sign3A_252 : i32
              %sign3A_254 = arith.constant 0 : i32
              %sign3A_255 = arith.cmpi sgt, %jit3A_245, %sign3A_254 : i32
              %sign3A_256 = arith.extui %sign3A_255 : i1 to i32
              %sign3A_257 = arith.constant 0 : i32
              %sign3A_258 = arith.cmpi slt, %jit3A_245, %sign3A_257 : i32
              %sign3A_259 = arith.extui %sign3A_258 : i1 to i32
              %sign3A_260 = arith.subi %sign3A_256, %sign3A_259 : i32
              %ne3A_261 = arith.cmpi ne, %sign3A_253, %sign3A_260 : i32
              %rem3A_262 = arith.remsi %reduce_max3A_129, %jit3A_245 : i32
              %ne3A_263 = arith.constant 0 : i32
              %ne3A_264 = arith.cmpi ne, %rem3A_262, %ne3A_263 : i32
              %and3A_265 = arith.andi %ne3A_261, %ne3A_264 : i1
              %sub3A_266 = arith.constant 1 : i32
              %sub3A_267 = arith.subi %div3A_246, %sub3A_266 : i32
              %select_n3A_268 = arith.select %and3A_265, %sub3A_267, %div3A_246 : i32
              %mul3A_269 = arith.constant 128 : i32
              %mul3A_270 = arith.muli %select_n3A_268, %mul3A_269 : i32
              %multiple_of3A = tpu.assume_multiple %mul3A_270, 128 : i32
              %dma_start3A = arith.constant 2 : i32
              %dma_start3A_271 = arith.constant 0 : i32
              %dma_start3A_272 = tpu.memref_slice %arg8[%dma_start3A, %dma_start3A_271] : memref<4x128xf32, #tpu.memory_space<vmem>> -> memref<1x128xf32, #tpu.memory_space<vmem>>
              %dma_start3A_273 = tpu.memref_squeeze %dma_start3A_272 : memref<1x128xf32, #tpu.memory_space<vmem>> -> memref<128xf32, #tpu.memory_space<vmem>>
              %dma_start3A_274 = tpu.memref_slice %arg3[%reduce_max3A_116, %multiple_of3A] : memref<1024x100000xf32, #tpu.memory_space<hbm>> -> memref<1x128xf32, #tpu.memory_space<hbm>>
              %dma_start3A_275 = tpu.memref_squeeze %dma_start3A_274 : memref<1x128xf32, #tpu.memory_space<hbm>> -> memref<128xf32, #tpu.memory_space<hbm>>
              %dma_start3A_276 = tpu.memref_slice %arg3[%reduce_max3A_116, %multiple_of3A] : memref<1024x100000xf32, #tpu.memory_space<hbm>> -> memref<1x128xf32, #tpu.memory_space<hbm>>
              %dma_start3A_277 = tpu.memref_squeeze %dma_start3A_276 : memref<1x128xf32, #tpu.memory_space<hbm>> -> memref<128xf32, #tpu.memory_space<hbm>>
              %dma_start3A_278 = arith.constant 0 : i32
              %dma_start3A_279 = tpu.memref_slice %arg8[%dma_start3A, %dma_start3A_278] : memref<4x128xf32, #tpu.memory_space<vmem>> -> memref<1x128xf32, #tpu.memory_space<vmem>>
              %dma_start3A_280 = tpu.memref_squeeze %dma_start3A_279 : memref<1x128xf32, #tpu.memory_space<vmem>> -> memref<128xf32, #tpu.memory_space<vmem>>
              tpu.enqueue_dma source(%dma_start3A_280 : memref<128xf32, #tpu.memory_space<vmem>>) target(%dma_start3A_277 : memref<128xf32, #tpu.memory_space<hbm>>) target_semaphore(%arg11 : memref<!tpu.dma_semaphore, #tpu.memory_space<semaphore_mem>>)
            }
          } else {
            %eq3A_185 = arith.constant 0 : i32
            %eq3A_186 = arith.cmpi eq, %rem3A_160, %eq3A_185 : i32
            %select_n3A_187 = arith.select %eq3A_186, %select_n3A_137, %broadcast_in_dim3A_15 : vector<16xf32>
            %swap3A_188 = arith.constant 1 : i32
            %swap3A_189 = arith.index_cast %swap3A_188 : i32 to index
            %swap3A_190 = arith.constant 0 : index
            %swap3A_191 = tpu.vector_load %arg8[%swap3A_189, %swap3A_190] {strides = array<i32>} : memref<4x128xf32, #tpu.memory_space<vmem>>, vector<16xf32>,
            tpu.vector_store %arg8[%swap3A_189, %swap3A_190], %select_n3A_187 {strides = array<i32>} : memref<4x128xf32, #tpu.memory_space<vmem>>, vector<16xf32>,
            %eq3A_192 = arith.constant 1 : i32
            %eq3A_193 = arith.cmpi eq, %rem3A_160, %eq3A_192 : i32
            %select_n3A_194 = arith.select %eq3A_193, %select_n3A_137, %broadcast_in_dim3A_15 : vector<16xf32>
            %swap3A_195 = arith.constant 1 : i32
            %swap3A_196 = arith.index_cast %swap3A_195 : i32 to index
            %swap3A_197 = arith.constant 16 : index
            %swap3A_198 = tpu.vector_load %arg8[%swap3A_196, %swap3A_197] {strides = array<i32>} : memref<4x128xf32, #tpu.memory_space<vmem>>, vector<16xf32>,
            tpu.vector_store %arg8[%swap3A_196, %swap3A_197], %select_n3A_194 {strides = array<i32>} : memref<4x128xf32, #tpu.memory_space<vmem>>, vector<16xf32>,
            %eq3A_199 = arith.constant 2 : i32
            %eq3A_200 = arith.cmpi eq, %rem3A_160, %eq3A_199 : i32
            %select_n3A_201 = arith.select %eq3A_200, %select_n3A_137, %broadcast_in_dim3A_15 : vector<16xf32>
            %swap3A_202 = arith.constant 1 : i32
            %swap3A_203 = arith.index_cast %swap3A_202 : i32 to index
            %swap3A_204 = arith.constant 32 : index
            %swap3A_205 = tpu.vector_load %arg8[%swap3A_203, %swap3A_204] {strides = array<i32>} : memref<4x128xf32, #tpu.memory_space<vmem>>, vector<16xf32>,
            tpu.vector_store %arg8[%swap3A_203, %swap3A_204], %select_n3A_201 {strides = array<i32>} : memref<4x128xf32, #tpu.memory_space<vmem>>, vector<16xf32>,
            %eq3A_206 = arith.constant 3 : i32
            %eq3A_207 = arith.cmpi eq, %rem3A_160, %eq3A_206 : i32
            %select_n3A_208 = arith.select %eq3A_207, %select_n3A_137, %broadcast_in_dim3A_15 : vector<16xf32>
            %swap3A_209 = arith.constant 1 : i32
            %swap3A_210 = arith.index_cast %swap3A_209 : i32 to index
            %swap3A_211 = arith.constant 48 : index
            %swap3A_212 = tpu.vector_load %arg8[%swap3A_210, %swap3A_211] {strides = array<i32>} : memref<4x128xf32, #tpu.memory_space<vmem>>, vector<16xf32>,
            tpu.vector_store %arg8[%swap3A_210, %swap3A_211], %select_n3A_208 {strides = array<i32>} : memref<4x128xf32, #tpu.memory_space<vmem>>, vector<16xf32>,
            %eq3A_213 = arith.constant 4 : i32
            %eq3A_214 = arith.cmpi eq, %rem3A_160, %eq3A_213 : i32
            %select_n3A_215 = arith.select %eq3A_214, %select_n3A_137, %broadcast_in_dim3A_15 : vector<16xf32>
            %swap3A_216 = arith.constant 1 : i32
            %swap3A_217 = arith.index_cast %swap3A_216 : i32 to index
            %swap3A_218 = arith.constant 64 : index
            %swap3A_219 = tpu.vector_load %arg8[%swap3A_217, %swap3A_218] {strides = array<i32>} : memref<4x128xf32, #tpu.memory_space<vmem>>, vector<16xf32>,
            tpu.vector_store %arg8[%swap3A_217, %swap3A_218], %select_n3A_215 {strides = array<i32>} : memref<4x128xf32, #tpu.memory_space<vmem>>, vector<16xf32>,
            %eq3A_220 = arith.constant 5 : i32
            %eq3A_221 = arith.cmpi eq, %rem3A_160, %eq3A_220 : i32
            %select_n3A_222 = arith.select %eq3A_221, %select_n3A_137, %broadcast_in_dim3A_15 : vector<16xf32>
            %swap3A_223 = arith.constant 1 : i32
            %swap3A_224 = arith.index_cast %swap3A_223 : i32 to index
            %swap3A_225 = arith.constant 80 : index
            %swap3A_226 = tpu.vector_load %arg8[%swap3A_224, %swap3A_225] {strides = array<i32>} : memref<4x128xf32, #tpu.memory_space<vmem>>, vector<16xf32>,
            tpu.vector_store %arg8[%swap3A_224, %swap3A_225], %select_n3A_222 {strides = array<i32>} : memref<4x128xf32, #tpu.memory_space<vmem>>, vector<16xf32>,
            %eq3A_227 = arith.constant 6 : i32
            %eq3A_228 = arith.cmpi eq, %rem3A_160, %eq3A_227 : i32
            %select_n3A_229 = arith.select %eq3A_228, %select_n3A_137, %broadcast_in_dim3A_15 : vector<16xf32>
            %swap3A_230 = arith.constant 1 : i32
            %swap3A_231 = arith.index_cast %swap3A_230 : i32 to index
            %swap3A_232 = arith.constant 96 : index
            %swap3A_233 = tpu.vector_load %arg8[%swap3A_231, %swap3A_232] {strides = array<i32>} : memref<4x128xf32, #tpu.memory_space<vmem>>, vector<16xf32>,
            tpu.vector_store %arg8[%swap3A_231, %swap3A_232], %select_n3A_229 {strides = array<i32>} : memref<4x128xf32, #tpu.memory_space<vmem>>, vector<16xf32>,
            %eq3A_234 = arith.constant 7 : i32
            %eq3A_235 = arith.cmpi eq, %rem3A_160, %eq3A_234 : i32
            %select_n3A_236 = arith.select %eq3A_235, %select_n3A_137, %broadcast_in_dim3A_15 : vector<16xf32>
            %swap3A_237 = arith.constant 1 : i32
            %swap3A_238 = arith.index_cast %swap3A_237 : i32 to index
            %swap3A_239 = arith.constant 112 : index
            %swap3A_240 = tpu.vector_load %arg8[%swap3A_238, %swap3A_239] {strides = array<i32>} : memref<4x128xf32, #tpu.memory_space<vmem>>, vector<16xf32>,
            tpu.vector_store %arg8[%swap3A_238, %swap3A_239], %select_n3A_236 {strides = array<i32>} : memref<4x128xf32, #tpu.memory_space<vmem>>, vector<16xf32>,
            %jit3A_241 = arith.constant 128 : i32
            %div3A_242 = arith.divsi %reduce_max3A_129, %jit3A_241 : i32
            %sign3A_243 = arith.constant 0 : i32
            %sign3A_244 = arith.cmpi sgt, %reduce_max3A_129, %sign3A_243 : i32
            %sign3A_245 = arith.extui %sign3A_244 : i1 to i32
            %sign3A_246 = arith.constant 0 : i32
            %sign3A_247 = arith.cmpi slt, %reduce_max3A_129, %sign3A_246 : i32
            %sign3A_248 = arith.extui %sign3A_247 : i1 to i32
            %sign3A_249 = arith.subi %sign3A_245, %sign3A_248 : i32
            %sign3A_250 = arith.constant 0 : i32
            %sign3A_251 = arith.cmpi sgt, %jit3A_241, %sign3A_250 : i32
            %sign3A_252 = arith.extui %sign3A_251 : i1 to i32
            %sign3A_253 = arith.constant 0 : i32
            %sign3A_254 = arith.cmpi slt, %jit3A_241, %sign3A_253 : i32
            %sign3A_255 = arith.extui %sign3A_254 : i1 to i32
            %sign3A_256 = arith.subi %sign3A_252, %sign3A_255 : i32
            %ne3A_257 = arith.cmpi ne, %sign3A_249, %sign3A_256 : i32
            %rem3A_258 = arith.remsi %reduce_max3A_129, %jit3A_241 : i32
            %ne3A_259 = arith.constant 0 : i32
            %ne3A_260 = arith.cmpi ne, %rem3A_258, %ne3A_259 : i32
            %and3A_261 = arith.andi %ne3A_257, %ne3A_260 : i1
            %sub3A_262 = arith.constant 1 : i32
            %sub3A_263 = arith.subi %div3A_242, %sub3A_262 : i32
            %select_n3A_264 = arith.select %and3A_261, %sub3A_263, %div3A_242 : i32
            %mul3A_265 = arith.constant 128 : i32
            %mul3A_266 = arith.muli %select_n3A_264, %mul3A_265 : i32
            %multiple_of3A = tpu.assume_multiple %mul3A_266, 128 : i32
            %dma_start3A = arith.constant 1 : i32
            %dma_start3A_267 = arith.constant 0 : i32
            %dma_start3A_268 = tpu.memref_slice %arg8[%dma_start3A, %dma_start3A_267] : memref<4x128xf32, #tpu.memory_space<vmem>> -> memref<1x128xf32, #tpu.memory_space<vmem>>
            %dma_start3A_269 = tpu.memref_squeeze %dma_start3A_268 : memref<1x128xf32, #tpu.memory_space<vmem>> -> memref<128xf32, #tpu.memory_space<vmem>>
            %dma_start3A_270 = tpu.memref_slice %arg3[%reduce_max3A_116, %multiple_of3A] : memref<1024x100000xf32, #tpu.memory_space<hbm>> -> memref<1x128xf32, #tpu.memory_space<hbm>>
            %dma_start3A_271 = tpu.memref_squeeze %dma_start3A_270 : memref<1x128xf32, #tpu.memory_space<hbm>> -> memref<128xf32, #tpu.memory_space<hbm>>
            %dma_start3A_272 = tpu.memref_slice %arg3[%reduce_max3A_116, %multiple_of3A] : memref<1024x100000xf32, #tpu.memory_space<hbm>> -> memref<1x128xf32, #tpu.memory_space<hbm>>
            %dma_start3A_273 = tpu.memref_squeeze %dma_start3A_272 : memref<1x128xf32, #tpu.memory_space<hbm>> -> memref<128xf32, #tpu.memory_space<hbm>>
            %dma_start3A_274 = arith.constant 0 : i32
            %dma_start3A_275 = tpu.memref_slice %arg8[%dma_start3A, %dma_start3A_274] : memref<4x128xf32, #tpu.memory_space<vmem>> -> memref<1x128xf32, #tpu.memory_space<vmem>>
            %dma_start3A_276 = tpu.memref_squeeze %dma_start3A_275 : memref<1x128xf32, #tpu.memory_space<vmem>> -> memref<128xf32, #tpu.memory_space<vmem>>
            tpu.enqueue_dma source(%dma_start3A_276 : memref<128xf32, #tpu.memory_space<vmem>>) target(%dma_start3A_273 : memref<128xf32, #tpu.memory_space<hbm>>) target_semaphore(%arg11 : memref<!tpu.dma_semaphore, #tpu.memory_space<semaphore_mem>>)
          }
        } else {
          %eq3A_181 = arith.constant 0 : i32
          %eq3A_182 = arith.cmpi eq, %rem3A_160, %eq3A_181 : i32
          %select_n3A_183 = arith.select %eq3A_182, %select_n3A_137, %broadcast_in_dim3A_15 : vector<16xf32>
          %swap3A_184 = arith.constant 0 : i32
          %swap3A_185 = arith.index_cast %swap3A_184 : i32 to index
          %swap3A_186 = arith.constant 0 : index
          %swap3A_187 = tpu.vector_load %arg8[%swap3A_185, %swap3A_186] {strides = array<i32>} : memref<4x128xf32, #tpu.memory_space<vmem>>, vector<16xf32>,
          tpu.vector_store %arg8[%swap3A_185, %swap3A_186], %select_n3A_183 {strides = array<i32>} : memref<4x128xf32, #tpu.memory_space<vmem>>, vector<16xf32>,
          %eq3A_188 = arith.constant 1 : i32
          %eq3A_189 = arith.cmpi eq, %rem3A_160, %eq3A_188 : i32
          %select_n3A_190 = arith.select %eq3A_189, %select_n3A_137, %broadcast_in_dim3A_15 : vector<16xf32>
          %swap3A_191 = arith.constant 0 : i32
          %swap3A_192 = arith.index_cast %swap3A_191 : i32 to index
          %swap3A_193 = arith.constant 16 : index
          %swap3A_194 = tpu.vector_load %arg8[%swap3A_192, %swap3A_193] {strides = array<i32>} : memref<4x128xf32, #tpu.memory_space<vmem>>, vector<16xf32>,
          tpu.vector_store %arg8[%swap3A_192, %swap3A_193], %select_n3A_190 {strides = array<i32>} : memref<4x128xf32, #tpu.memory_space<vmem>>, vector<16xf32>,
          %eq3A_195 = arith.constant 2 : i32
          %eq3A_196 = arith.cmpi eq, %rem3A_160, %eq3A_195 : i32
          %select_n3A_197 = arith.select %eq3A_196, %select_n3A_137, %broadcast_in_dim3A_15 : vector<16xf32>
          %swap3A_198 = arith.constant 0 : i32
          %swap3A_199 = arith.index_cast %swap3A_198 : i32 to index
          %swap3A_200 = arith.constant 32 : index
          %swap3A_201 = tpu.vector_load %arg8[%swap3A_199, %swap3A_200] {strides = array<i32>} : memref<4x128xf32, #tpu.memory_space<vmem>>, vector<16xf32>,
          tpu.vector_store %arg8[%swap3A_199, %swap3A_200], %select_n3A_197 {strides = array<i32>} : memref<4x128xf32, #tpu.memory_space<vmem>>, vector<16xf32>,
          %eq3A_202 = arith.constant 3 : i32
          %eq3A_203 = arith.cmpi eq, %rem3A_160, %eq3A_202 : i32
          %select_n3A_204 = arith.select %eq3A_203, %select_n3A_137, %broadcast_in_dim3A_15 : vector<16xf32>
          %swap3A_205 = arith.constant 0 : i32
          %swap3A_206 = arith.index_cast %swap3A_205 : i32 to index
          %swap3A_207 = arith.constant 48 : index
          %swap3A_208 = tpu.vector_load %arg8[%swap3A_206, %swap3A_207] {strides = array<i32>} : memref<4x128xf32, #tpu.memory_space<vmem>>, vector<16xf32>,
          tpu.vector_store %arg8[%swap3A_206, %swap3A_207], %select_n3A_204 {strides = array<i32>} : memref<4x128xf32, #tpu.memory_space<vmem>>, vector<16xf32>,
          %eq3A_209 = arith.constant 4 : i32
          %eq3A_210 = arith.cmpi eq, %rem3A_160, %eq3A_209 : i32
          %select_n3A_211 = arith.select %eq3A_210, %select_n3A_137, %broadcast_in_dim3A_15 : vector<16xf32>
          %swap3A_212 = arith.constant 0 : i32
          %swap3A_213 = arith.index_cast %swap3A_212 : i32 to index
          %swap3A_214 = arith.constant 64 : index
          %swap3A_215 = tpu.vector_load %arg8[%swap3A_213, %swap3A_214] {strides = array<i32>} : memref<4x128xf32, #tpu.memory_space<vmem>>, vector<16xf32>,
          tpu.vector_store %arg8[%swap3A_213, %swap3A_214], %select_n3A_211 {strides = array<i32>} : memref<4x128xf32, #tpu.memory_space<vmem>>, vector<16xf32>,
          %eq3A_216 = arith.constant 5 : i32
          %eq3A_217 = arith.cmpi eq, %rem3A_160, %eq3A_216 : i32
          %select_n3A_218 = arith.select %eq3A_217, %select_n3A_137, %broadcast_in_dim3A_15 : vector<16xf32>
          %swap3A_219 = arith.constant 0 : i32
          %swap3A_220 = arith.index_cast %swap3A_219 : i32 to index
          %swap3A_221 = arith.constant 80 : index
          %swap3A_222 = tpu.vector_load %arg8[%swap3A_220, %swap3A_221] {strides = array<i32>} : memref<4x128xf32, #tpu.memory_space<vmem>>, vector<16xf32>,
          tpu.vector_store %arg8[%swap3A_220, %swap3A_221], %select_n3A_218 {strides = array<i32>} : memref<4x128xf32, #tpu.memory_space<vmem>>, vector<16xf32>,
          %eq3A_223 = arith.constant 6 : i32
          %eq3A_224 = arith.cmpi eq, %rem3A_160, %eq3A_223 : i32
          %select_n3A_225 = arith.select %eq3A_224, %select_n3A_137, %broadcast_in_dim3A_15 : vector<16xf32>
          %swap3A_226 = arith.constant 0 : i32
          %swap3A_227 = arith.index_cast %swap3A_226 : i32 to index
          %swap3A_228 = arith.constant 96 : index
          %swap3A_229 = tpu.vector_load %arg8[%swap3A_227, %swap3A_228] {strides = array<i32>} : memref<4x128xf32, #tpu.memory_space<vmem>>, vector<16xf32>,
          tpu.vector_store %arg8[%swap3A_227, %swap3A_228], %select_n3A_225 {strides = array<i32>} : memref<4x128xf32, #tpu.memory_space<vmem>>, vector<16xf32>,
          %eq3A_230 = arith.constant 7 : i32
          %eq3A_231 = arith.cmpi eq, %rem3A_160, %eq3A_230 : i32
          %select_n3A_232 = arith.select %eq3A_231, %select_n3A_137, %broadcast_in_dim3A_15 : vector<16xf32>
          %swap3A_233 = arith.constant 0 : i32
          %swap3A_234 = arith.index_cast %swap3A_233 : i32 to index
          %swap3A_235 = arith.constant 112 : index
          %swap3A_236 = tpu.vector_load %arg8[%swap3A_234, %swap3A_235] {strides = array<i32>} : memref<4x128xf32, #tpu.memory_space<vmem>>, vector<16xf32>,
          tpu.vector_store %arg8[%swap3A_234, %swap3A_235], %select_n3A_232 {strides = array<i32>} : memref<4x128xf32, #tpu.memory_space<vmem>>, vector<16xf32>,
          %jit3A_237 = arith.constant 128 : i32
          %div3A_238 = arith.divsi %reduce_max3A_129, %jit3A_237 : i32
          %sign3A_239 = arith.constant 0 : i32
          %sign3A_240 = arith.cmpi sgt, %reduce_max3A_129, %sign3A_239 : i32
          %sign3A_241 = arith.extui %sign3A_240 : i1 to i32
          %sign3A_242 = arith.constant 0 : i32
          %sign3A_243 = arith.cmpi slt, %reduce_max3A_129, %sign3A_242 : i32
          %sign3A_244 = arith.extui %sign3A_243 : i1 to i32
          %sign3A_245 = arith.subi %sign3A_241, %sign3A_244 : i32
          %sign3A_246 = arith.constant 0 : i32
          %sign3A_247 = arith.cmpi sgt, %jit3A_237, %sign3A_246 : i32
          %sign3A_248 = arith.extui %sign3A_247 : i1 to i32
          %sign3A_249 = arith.constant 0 : i32
          %sign3A_250 = arith.cmpi slt, %jit3A_237, %sign3A_249 : i32
          %sign3A_251 = arith.extui %sign3A_250 : i1 to i32
          %sign3A_252 = arith.subi %sign3A_248, %sign3A_251 : i32
          %ne3A_253 = arith.cmpi ne, %sign3A_245, %sign3A_252 : i32
          %rem3A_254 = arith.remsi %reduce_max3A_129, %jit3A_237 : i32
          %ne3A_255 = arith.constant 0 : i32
          %ne3A_256 = arith.cmpi ne, %rem3A_254, %ne3A_255 : i32
          %and3A_257 = arith.andi %ne3A_253, %ne3A_256 : i1
          %sub3A_258 = arith.constant 1 : i32
          %sub3A_259 = arith.subi %div3A_238, %sub3A_258 : i32
          %select_n3A_260 = arith.select %and3A_257, %sub3A_259, %div3A_238 : i32
          %mul3A_261 = arith.constant 128 : i32
          %mul3A_262 = arith.muli %select_n3A_260, %mul3A_261 : i32
          %multiple_of3A = tpu.assume_multiple %mul3A_262, 128 : i32
          %dma_start3A = arith.constant 0 : i32
          %dma_start3A_263 = arith.constant 0 : i32
          %dma_start3A_264 = tpu.memref_slice %arg8[%dma_start3A, %dma_start3A_263] : memref<4x128xf32, #tpu.memory_space<vmem>> -> memref<1x128xf32, #tpu.memory_space<vmem>>
          %dma_start3A_265 = tpu.memref_squeeze %dma_start3A_264 : memref<1x128xf32, #tpu.memory_space<vmem>> -> memref<128xf32, #tpu.memory_space<vmem>>
          %dma_start3A_266 = tpu.memref_slice %arg3[%reduce_max3A_116, %multiple_of3A] : memref<1024x100000xf32, #tpu.memory_space<hbm>> -> memref<1x128xf32, #tpu.memory_space<hbm>>
          %dma_start3A_267 = tpu.memref_squeeze %dma_start3A_266 : memref<1x128xf32, #tpu.memory_space<hbm>> -> memref<128xf32, #tpu.memory_space<hbm>>
          %dma_start3A_268 = tpu.memref_slice %arg3[%reduce_max3A_116, %multiple_of3A] : memref<1024x100000xf32, #tpu.memory_space<hbm>> -> memref<1x128xf32, #tpu.memory_space<hbm>>
          %dma_start3A_269 = tpu.memref_squeeze %dma_start3A_268 : memref<1x128xf32, #tpu.memory_space<hbm>> -> memref<128xf32, #tpu.memory_space<hbm>>
          %dma_start3A_270 = arith.constant 0 : i32
          %dma_start3A_271 = tpu.memref_slice %arg8[%dma_start3A, %dma_start3A_270] : memref<4x128xf32, #tpu.memory_space<vmem>> -> memref<1x128xf32, #tpu.memory_space<vmem>>
          %dma_start3A_272 = tpu.memref_squeeze %dma_start3A_271 : memref<1x128xf32, #tpu.memory_space<vmem>> -> memref<128xf32, #tpu.memory_space<vmem>>
          tpu.enqueue_dma source(%dma_start3A_272 : memref<128xf32, #tpu.memory_space<vmem>>) target(%dma_start3A_269 : memref<128xf32, #tpu.memory_space<hbm>>) target_semaphore(%arg11 : memref<!tpu.dma_semaphore, #tpu.memory_space<semaphore_mem>>)
        }
        %jit3A_173 = arith.constant 0 : i32
        %jit3A_174 = arith.constant 1 : i32
        %select_n3A_175 = arith.select %ge3A_162, %jit3A_173, %jit3A_174 : i32
        %add3A_176 = arith.addi %while3A_102, %select_n3A_175 : i32
        %jit3A_177 = arith.constant 1 : i32
        %jit3A_178 = arith.constant 0 : i32
        %select_n3A_179 = arith.select %ge3A_162, %jit3A_177, %jit3A_178 : i32
        %add3A_180 = arith.addi %while3A_103, %select_n3A_179 : i32
        scf.yield %add3A_176, %add3A_180 : i32, i32
      }
      scf.yield %while3A_100#0, %while3A_100#1 : i32, i32
    }
    %scan3A_47 = arith.constant 64 : i32
    %min3A_48 = arith.constant 4 : i32
    %min3A_49 = arith.minsi %scan3A_46#0, %min3A_48 : i32
    %while3A_50 = arith.constant 0 : i32
    %while3A_51 = arith.constant 0 : i32
    %while3A_52 = arith.subi %min3A_49, %while3A_51 : i32
    %while3A_53 = arith.addi %while3A_51, %while3A_52 : i32
    %while3A_54 = arith.constant 1 : i32
    %while3A_55 = arith.divsi %while3A_52, %while3A_54 : i32
    %while3A_56 = arith.muli %while3A_55, %while3A_54 : i32
    %while3A_57 = arith.addi %while3A_51, %while3A_56 : i32
    %while3A_58 = arith.constant 1 : i32
    scf.for %while3A_60 = %while3A_51 to %while3A_57 step %while3A_58  : i32 {
      %dma_wait3A = arith.constant 0 : i32
      %dma_wait3A_61 = arith.constant 0 : i32
      %dma_wait3A_62 = arith.constant 0 : i32
      %dma_wait3A_63 = tpu.memref_slice %arg8[%dma_wait3A, %dma_wait3A_62] : memref<4x128xf32, #tpu.memory_space<vmem>> -> memref<1x128xf32, #tpu.memory_space<vmem>>
      %dma_wait3A_64 = tpu.memref_squeeze %dma_wait3A_63 : memref<1x128xf32, #tpu.memory_space<vmem>> -> memref<128xf32, #tpu.memory_space<vmem>>
      %dma_wait3A_65 = arith.constant 0 : i32
      %dma_wait3A_66 = tpu.memref_slice %arg3[%dma_wait3A_61, %dma_wait3A_65] : memref<1024x100000xf32, #tpu.memory_space<hbm>> -> memref<1x128xf32, #tpu.memory_space<hbm>>
      %dma_wait3A_67 = tpu.memref_squeeze %dma_wait3A_66 : memref<1x128xf32, #tpu.memory_space<hbm>> -> memref<128xf32, #tpu.memory_space<hbm>>
      %dma_wait3A_68 = arith.constant 0 : i32
      %dma_wait3A_69 = tpu.memref_slice %arg3[%dma_wait3A_61, %dma_wait3A_68] : memref<1024x100000xf32, #tpu.memory_space<hbm>> -> memref<1x128xf32, #tpu.memory_space<hbm>>
      %dma_wait3A_70 = tpu.memref_squeeze %dma_wait3A_69 : memref<1x128xf32, #tpu.memory_space<hbm>> -> memref<128xf32, #tpu.memory_space<hbm>>
      %dma_wait3A_71 = arith.constant 0 : i32
      %dma_wait3A_72 = tpu.memref_slice %arg8[%dma_wait3A, %dma_wait3A_71] : memref<4x128xf32, #tpu.memory_space<vmem>> -> memref<1x128xf32, #tpu.memory_space<vmem>>
      %dma_wait3A_73 = tpu.memref_squeeze %dma_wait3A_72 : memref<1x128xf32, #tpu.memory_space<vmem>> -> memref<128xf32, #tpu.memory_space<vmem>>
      tpu.wait_dma2 semaphore(%arg11 : memref<!tpu.dma_semaphore, #tpu.memory_space<semaphore_mem>>) src(%dma_wait3A_73 : memref<128xf32, #tpu.memory_space<vmem>>) dst(%dma_wait3A_70 : memref<128xf32, #tpu.memory_space<hbm>>)
    }
    %while3A_59 = arith.constant 1 : i32
    scf.for %while3A_60 = %while3A_57 to %while3A_53 step %while3A_59  : i32 {
      %dma_wait3A = arith.constant 0 : i32
      %dma_wait3A_61 = arith.constant 0 : i32
      %dma_wait3A_62 = arith.constant 0 : i32
      %dma_wait3A_63 = tpu.memref_slice %arg8[%dma_wait3A, %dma_wait3A_62] : memref<4x128xf32, #tpu.memory_space<vmem>> -> memref<1x128xf32, #tpu.memory_space<vmem>>
      %dma_wait3A_64 = tpu.memref_squeeze %dma_wait3A_63 : memref<1x128xf32, #tpu.memory_space<vmem>> -> memref<128xf32, #tpu.memory_space<vmem>>
      %dma_wait3A_65 = arith.constant 0 : i32
      %dma_wait3A_66 = tpu.memref_slice %arg3[%dma_wait3A_61, %dma_wait3A_65] : memref<1024x100000xf32, #tpu.memory_space<hbm>> -> memref<1x128xf32, #tpu.memory_space<hbm>>
      %dma_wait3A_67 = tpu.memref_squeeze %dma_wait3A_66 : memref<1x128xf32, #tpu.memory_space<hbm>> -> memref<128xf32, #tpu.memory_space<hbm>>
      %dma_wait3A_68 = arith.constant 0 : i32
      %dma_wait3A_69 = tpu.memref_slice %arg3[%dma_wait3A_61, %dma_wait3A_68] : memref<1024x100000xf32, #tpu.memory_space<hbm>> -> memref<1x128xf32, #tpu.memory_space<hbm>>
      %dma_wait3A_70 = tpu.memref_squeeze %dma_wait3A_69 : memref<1x128xf32, #tpu.memory_space<hbm>> -> memref<128xf32, #tpu.memory_space<hbm>>
      %dma_wait3A_71 = arith.constant 0 : i32
      %dma_wait3A_72 = tpu.memref_slice %arg8[%dma_wait3A, %dma_wait3A_71] : memref<4x128xf32, #tpu.memory_space<vmem>> -> memref<1x128xf32, #tpu.memory_space<vmem>>
      %dma_wait3A_73 = tpu.memref_squeeze %dma_wait3A_72 : memref<1x128xf32, #tpu.memory_space<vmem>> -> memref<128xf32, #tpu.memory_space<vmem>>
      tpu.wait_dma2 semaphore(%arg11 : memref<!tpu.dma_semaphore, #tpu.memory_space<semaphore_mem>>) src(%dma_wait3A_73 : memref<128xf32, #tpu.memory_space<vmem>>) dst(%dma_wait3A_70 : memref<128xf32, #tpu.memory_space<hbm>>)
    }
    return
  }
}

</mosaic_0001>

<sc_bundles>
// kernel: _kernel_impl.3.cloned.1.call-start
scs
__scs_entry_jumppad:
0x0: {  	(pc) =	sbr.rel $0x88, $3  }
0x1: {  	(tag) =	ssettag $0x0;
	lr =	simm.s32 $0x1  }
0x2: {  	[smem:$0x3FA0] =	sst lr;
	_ =	strace $0xD0000000  }
0x3: {  	_ = 	snop  }
0x4: {  	_ = 	snop  }
0x5: {  	_ = 	snop  }
0x6: {  	_ = 	snop  }
0x7: {  	_ = 	snop  }
__scs_overlays_trampoline_lowered:
0x8: {  	[smem:$0x3FAF] =	sst s0  }
0x9: {  	[smem:$0x3FB0] =	sst s1  }
0xa: {  	[smem:$0x3FB1] =	sst s2  }
0xb: {  	[smem:$0x3FB2] =	sst s3  }
0xc: {  	[smem:$0x3FB3] =	sst s4  }
0xd: {  	[smem:$0x3FB4] =	sst s5  }
0xe: {  	[smem:$0x3FB5] =	sst s6  }
0xf: {  	[smem:$0x3FB6] =	sst s7  }
0x10: {  	[smem:$0x3FB7] =	sst s8  }
0x11: {  	[smem:$0x3FB8] =	sst s9;
	s0 =	simm.s32 @!p0 $0x0  }
0x12: {  	s1 =	sld [smem:$0x3F9E];
	s0 =	simm.s32 @p0 $0x1  }
0x13: {  	[smem:$0x3FB9] =	sst s0;
	s0 =	simm.s32 @!p1 $0x0  }
0x14: {  	s2 =	sld [smem:$0x3F9D];
	s0 =	simm.s32 @p1 $0x1  }
0x15: {  	[smem:$0x3FBA] =	sst s0;
	s0 =	simm.s32 @!p2 $0x0  }
0x16: {  	s3 =	sld [smem:$0x3FDB];
	s0 =	simm.s32 @p2 $0x1  }
0x17: {  	s4 =	simm.s32 $0x1BF5;
	[smem:$0x3FBC] =	sst s0  }
0x18: {  	s0 =	sld [smem:$0x3F9F];
	_ =	swait.ge [sflag:s4], $0x0  }
0x19: {  	s7 =	sld [smem:$0x3FA0]  }
0x1a: {  	s8 =	sadd.s32 $0xFFFFE003, lr  }
0x1b: {  	s9 =	sadd.s32 $0xFFFFFEF7, lr;
	s5 =	simm.s32 $0xFFFFFFFF;
	p2 =	slt.u32 s8, $0xFFFFF086  }
0x1c: {  	p1 =	slt.u32 s9, $0xF7A;
	s5 =	simm.s32 @!p2 $0x0  }
0x1d: {  	s5 =	simm.s32 @p1 $0x1;
	p0 =	seq.s32 s7, s2  }
0x1e: {  	s7 =	smul.u32 @!p0 $0xF7A, s2;
	p2 =	seq.s32 @!p0 s5, $0x0  }
0x1f: {  	s9 =	smul.u32 $0xF7A, s1;
	s8 =	simm.s32 @!p0 $0x1BF5;
	p2 =	por !p2, p0  }
0x20: {  	[sflag:s8] =	ssyncset.s32 @!p0 $0xFFFFF086;
	s6 =	sadd.s32 @!p0 s3, s7;
	s7 =	simm.s32 @!p0 $0x108  }
0x21: {  	s3 =	sadd.s32 s3, s9;
	s6 =	sadd.s32 @!p0 $0x88, s6;
	s7 =	simm.s32 @p2 $0x1082  }
0x22: {  	[simem:s7], [sflag:s8] =	dma.local @!p0 [hbm:s6], $0xF7A  }
0x23: {  	s9 =	sor.u32 $0xD0000000, s2;
	s6 =	simm.s32 $0x108;
	_ =	swait.ge @!p0 [sflag:s8], $0x0  }
0x24: {  	s3 =	sadd.s32 $0x88, s3;
	s6 =	simm.s32 @!p1 $0x1082;
	[sflag:s4] =	ssyncset.s32 $0xFFFFF086  }
0x25: {  	[simem:s6], [sflag:s4] =	dma.local [hbm:s3], $0xF7A  }
0x26: {  	[smem:$0x3FA0] =	sst s1;
	(tag) =	ssettag s2;
	_ =	strace s9  }
0x27: {  	s1 =	sld [smem:$0x3FB0]  }
0x28: {  	s2 =	sld [smem:$0x3FB1]  }
0x29: {  	s4 =	sld [smem:$0x3FB3]  }
0x2a: {  	p0 =	seq.s32 s5, $0x0;
	s5 =	sld [smem:$0x3FB4]  }
0x2b: {  	s6 =	sld [smem:$0x3FB5]  }
0x2c: {  	s7 =	sld [smem:$0x3FB6]  }
0x2d: {  	s3 =	simm.s32 $0x108;
	s8 =	sld [smem:$0x3FB7]  }
0x2e: {  	s3 =	simm.s32 @!p0 $0x1082;
	s9 =	sld [smem:$0x3FB8]  }
0x2f: {  	lr =	sadd.s32 s0, s3;
	s0 =	sld [smem:$0x3FAF]  }
0x30: {  	s3 =	sld [smem:$0x3FB2]  }
0x31: {  	[smem:$0x3FBB] =	sst s10  }
0x32: {  	s10 =	sld [smem:$0x3FB9];
	_ =	sdelay $0x3  }
0x33: {  	p0 =	seq.s32 s10, $0x1;
	s10 =	sld [smem:$0x3FBB];
	_ =	sdelay $0x3  }
0x34: {  	[smem:$0x3FBB] =	sst s10  }
0x35: {  	s10 =	sld [smem:$0x3FBA];
	_ =	sdelay $0x3  }
0x36: {  	p1 =	seq.s32 s10, $0x1;
	s10 =	sld [smem:$0x3FBB];
	_ =	sdelay $0x3  }
0x37: {  	[smem:$0x3FBB] =	sst s10  }
0x38: {  	s10 =	sld [smem:$0x3FBC]  }
0x39: {  	_ = 	snop;
	(pc) =	sbr.ind lr, $3  }
0x3a: {  	_ = 	snop  }
0x3b: {  	_ = 	snop  }
0x3c: {  	p2 =	seq.s32 s10, $0x1;
	s10 =	sld [smem:$0x3FBB]  }
0x3d: {  	_ =	shalt  }
0x3e: {  	_ =	shalt  }
0x3f: {  	_ =	shalt  }
0x40: {  	_ =	shalt  }
0x41: {  	_ =	shalt  }
0x42: {  	_ =	shalt  }
0x43: {  	_ =	shalt  }
0x44: {  	_ =	shalt  }
0x45: {  	_ =	shalt  }
0x46: {  	_ =	shalt  }
0x47: {  	_ =	shalt  }
0x48: {  	_ =	shalt  }
0x49: {  	_ =	shalt  }
0x4a: {  	_ =	shalt  }
0x4b: {  	_ =	shalt  }
0x4c: {  	_ =	shalt  }
0x4d: {  	_ =	shalt  }
0x4e: {  	_ =	shalt  }
0x4f: {  	_ =	shalt  }
0x50: {  	_ =	shalt  }
0x51: {  	_ =	shalt  }
0x52: {  	_ =	shalt  }
0x53: {  	_ =	shalt  }
0x54: {  	_ =	shalt  }
0x55: {  	_ =	shalt  }
0x56: {  	_ =	shalt  }
0x57: {  	_ =	shalt  }
0x58: {  	_ =	shalt  }
0x59: {  	_ =	shalt  }
0x5a: {  	_ =	shalt  }
0x5b: {  	_ =	shalt  }
0x5c: {  	_ =	shalt  }
0x5d: {  	_ =	shalt  }
0x5e: {  	_ =	shalt  }
0x5f: {  	_ =	shalt  }
0x60: {  	_ =	shalt  }
0x61: {  	_ =	shalt  }
0x62: {  	_ =	shalt  }
0x63: {  	_ =	shalt  }
0x64: {  	_ =	shalt  }
0x65: {  	_ =	shalt  }
0x66: {  	_ =	shalt  }
0x67: {  	_ =	shalt  }
0x68: {  	_ =	shalt  }
0x69: {  	_ =	shalt  }
0x6a: {  	_ =	shalt  }
0x6b: {  	_ =	shalt  }
0x6c: {  	_ =	shalt  }
0x6d: {  	_ =	shalt  }
0x6e: {  	_ =	shalt  }
0x6f: {  	_ =	shalt  }
0x70: {  	_ =	shalt  }
0x71: {  	_ =	shalt  }
0x72: {  	_ =	shalt  }
0x73: {  	_ =	shalt  }
0x74: {  	_ =	shalt  }
0x75: {  	_ =	shalt  }
0x76: {  	_ =	shalt  }
0x77: {  	_ =	shalt  }
0x78: {  	_ =	shalt  }
0x79: {  	_ =	shalt  }
0x7a: {  	_ =	shalt  }
0x7b: {  	_ =	shalt  }
0x7c: {  	_ =	shalt  }
0x7d: {  	_ =	shalt  }
0x7e: {  	_ =	shalt  }
0x7f: {  	_ =	shalt  }
0x80: {  	_ =	shalt  }
0x81: {  	_ =	shalt  }
0x82: {  	_ =	shalt  }
0x83: {  	_ =	shalt  }
0x84: {  	_ =	shalt  }
0x85: {  	_ =	shalt  }
0x86: {  	_ =	shalt  }
0x87: {  	_ =	shalt  }
.Lfunc_end0:
.L_simem_size_0:
called_computation_lowered:
.L_overlay_start_0:
0x88: {  	s2 =	sld [smem:$0x3FD9]  }
0x89: {  	s3 =	sld [smem:$0x3FFE];
	_ =	sdelay $0x1  }
0x8a: {  	s1 =	srdreg.scid  }
0x8b: {  	s0 =	sand.u32 $0x1, s1  }
0x8c: {  	s17 =	sshll.u32 s0, $0xA;
	s2 =	sadd.s32 s3, s2  }
0x8d: {  	s2 =	sadd.s32 s2, s17  }
0x8e: {  	[smem:$0x3FC7] =	sst s2  }
0x8f: {  	_ = 	snop  }
0x90: {  	s2 =	sld [smem:$0x3FC9];
	(tm) =	ssettm $0x1  }
0x91: {  	s18 =	sld [smem:$0x3FFB];
	_ =	sdelay $0x3  }
0x92: {  	_ =	strace s18  }
0x93: {  	s3 =	sld [smem:$0x3FFC];
	_ =	sdelay $0x3  }
0x94: {  	_ =	strace s3  }
0x95: {  	s3 =	sld [smem:$0x3FFD];
	_ =	sdelay $0x3  }
0x96: {  	_ =	strace s3  }
0x97: {  	_ =	strace $0x8FFFFFFF  }
0x98: {  	s19 =	sld [smem:$0x3FDB];
	_ =	sdelay $0x1  }
0x99: {  	s4 =	simm.s32 $_scs_section_size  }
0x9a: {  	s5 =	simm.s32 $_size__tile_overlayer_lowered;
	s6 =	simm.s32 $_tile_overlayer_lowered  }
0x9b: {  	s22 =	simm.s32 $0x1BFF;
	s21 =	sshll.u32 s6, $0x1;
	s3 =	sadd.s32 s4, s19  }
0x9c: {  	s7 =	simm.s32 $0x0;
	s20 =	sshll.u32 s5, $0x1;
	s5 =	sadd.s32 s21, s3  }
0x9d: {  	[timem:s7], [sflag:s22] =	dma.local [hbm:s5], s20  }
0x9e: {  	_ =	swait.ge [sflag:s22], s20  }
0x9f: {  	s4 =	ssub.s32 $0x0, s20;
	[sflag:s22] =	ssyncset.done $0x0  }
0xa0: {  	[sflag:s22] =	ssyncadd.s32 s4;
	_ =	sdelay $0x1  }
0xa1: {  	s23 =	simm.s32 $0x1B8B  }
0xa2: {  	_ =	swait.ge [sflag:s23], $0x1  }
0xa3: {  	[sflag:s23] =	ssyncset.done $0x0  }
0xa4: {  	s25 =	simm.s32 $0x1B8E;
	s24 =	sld [smem:$0x3FFE];
	[sflag:s23] =	ssyncadd.s32 $0xFFFFFFFF  }
0xa5: {  	s26 =	simm.s32 $execute0_lowered;
	[smem:$0x3FD2] =	sst s25  }
0xa6: {  	s5 =	sshll.u32 s26, $0x1;
	_ =	strace $0x80000046;
	[dreg:$0x1] =	wrdreg $0xFFFFFFFF  }
0xa7: {  	s28 =	simm.s32 $_size_execute0_lowered;
	s3 =	sadd.s32 s3, s5;
	[dreg:$0x0] =	wrdreg $0x0  }
0xa8: {  	s5 =	sshll.u32 s28, $0x1;
	[dreg:$0x2] =	wrdreg s3  }
0xa9: {  	[dreg:$0x3] =	wrdreg s5  }
0xaa: {  	[dreg:$0x4] =	wrdreg $0xC0  }
0xab: {  	_ =	task [dreg:s7], $0x5FFFF  }
0xac: {  	[dreg:$0x1] =	wrdreg $0xFFFFFFFF  }
0xad: {  	[dreg:$0x0] =	wrdreg $0x60  }
0xae: {  	[dreg:$0x2] =	wrdreg s2  }
0xaf: {  	[dreg:$0x3] =	wrdreg s24  }
0xb0: {  	[dreg:$0x4] =	wrdreg $0x9  }
0xb1: {  	_ =	task.clear_ibuf [dreg:s7], $0x5FFFF;
	_ =	strace $0x90000046  }
0xb2: {  	s29 =	simm.s32 $0x9;
	_ =	strace $0x80000048  }
0xb3: {  	_ =	swait.ge [sflag:s29], $0x1  }
0xb4: {  	[sflag:s29] =	ssyncadd.s32 $0xFFFFFFFF  }
0xb5: {  	_ =	strace $0x90000048  }
0xb6: {  	_ =	sfence  }
0xb7: {  	s30 =	sld [smem:$0x0];
	_ =	sdelay $0x2  }
0xb8: {  	s31 =	sshll.u32 s1, $0xD;
	s1 =	sshrl.u32 s1, $0x2  }
0xb9: {  	s3 =	sand.u32 $0x4000, s31;
	s1 =	sadd.s32 s1, s30  }
0xba: {  	s0 =	sor.u32 s3, s0;
	s1 =	sshll.u32 s1, $0x11  }
0xbb: {  	s0 =	sor.u32 s1, s0  }
0xbc: {  	s0 =	sadd.s32 $0x8F2B, s0  }
0xbd: {  	[sflag:s0] =	ssyncadd.remote.s32 $0x1  }
0xbe: {  	_ =	sfence.sel $0xFFFF  }
0xbf: {  	[dreg:$0x0] =	wrdreg $0xFFFFFFFF;
	(pc) =	sbr.abs _section_cstart, $3  }
0xc0: {  	[dreg:$0x1] =	wrdreg $0xFFFFFFFF  }
0xc1: {  	_ =	task.clear_ibuf [dreg:s7], $0x2FFFF;
	_ =	strace $0x9FFFFFFF  }
0xc2: {  	(tm) =	ssettm $0x7FFFFFFF  }
0xc3: {  	_ =	shalt  }
tec
execute0_lowered:
.L_overlay_start_1:
0x0: {  	(tag) =	ssettag $0x1  }
0x1: {  	s1 =	rddreg [dreg:$0x0]  }
0x2: {  	s4 =	rddreg [dreg:$0x1];
	s2 =	srdreg.scid  }
0x3: {  	s0 =	rddreg [dreg:$0x2];
	s3 =	simm.s32 $0x0;
	s13 =	simm.s32 $0x1  }
0x4: {  	s14 =	simm.s32 $0x4400;
	s16 =	simm.s32 $0x2;
	s17 =	simm.s32 $0x0  }
0x5: {  	s5 =	sand.u32 $0x1, s2;
	[smem:$0x7FF] =	sst s3;
	s2 =	stileid.u32  }
0x6: {  	s4 =	sadd.s32 $0x400, s4;
	s6 =	sshll.u32 s5, $0x4;
	_ =	strace $0x80000047  }
0x7: {  	s7 =	ssub.s32 $0x2, s5;
	s11 =	smul.u32 $0x180, s5;
	s5 =	simm.s32 $0x19  }
0x8: {  	s29 =	smul.u32 $0x18, s2;
	s6 =	sor.u32 s2, s6;
	s9 =	sshrl.u32 s7, $0x1  }
0x9: {  	s8 =	smul.u32 $0x18, s6;
	s10 =	smin.u32 s6, $0xD;
	p0 =	slt.u32 s6, $0xD  }
0xa: {  	s7 =	ssub.s32 s7, s9;
	s9 =	simm.s32 $0x4000;
	s5 =	simm.s32 @!p0 $0x18  }
.Ltmp0:
0xb: {  	s8 =	sadd.s32 s10, s8;
	s10 =	sor.u32 s11, s10;
	(pc) =	sbr.rel .LBB2_1-.Ltmp0, $4  }
0xc: {  	s11 =	simm.s32 $0x400;
	s30 =	sadd.s32 s5, s8;
	s6 =	sadd.s32 s29, s10  }
0xd: {  	s12 =	sshll.u32 s8, $0x7;
	s10 =	simm.s32 $0x3;
	s15 =	sshll.u32 s30, $0x7  }
0xe: {  	v2 =	vimm.f32 $0.0e+00;
	s31 =	sshll.u32 s6, $0x7;
	s6 =	smax.u32 s7, $0x1;
	s7 =	sshll.u32 s5, $0x7  }
0xf: {  	v3 =	vlaneseq.u32;
	v0 =	vmov s12;
	s12 =	simm.s32 $0xC3800;
	s8 =	sadd.s32 s31, s4;
	v1 =	vmov s15;
	s15 =	simm.s32 $0x4480  }
.LBB2_18:
0x10: {  	[sflag:s16] =	ssyncadd.s32 $0xFFFFFF80  }
.LBB2_19:
0x11: {  	s17 =	sadd.s32 $0x1, s17  }
0x12: {  	p0 =	sne.s32 s17, s6  }
.Ltmp1:
0x13: {  	_ = 	snop;
	(pc) =	sbr.rel @!p0 .LBB2_20-.Ltmp1, $1  }
0x14: {  	_ =	sdelay $0x3  }
.LBB2_1:
0x15: {  	[tilespmem:s9], [sflag:$0x3] =	stream.linear.gather [hbm4b:s1+s3], $0x400, $0x38;
	[tilespmem:$0x4700] =	vst v63  }
0x16: {  	_ =	swait.ge [sflag:s10], $0x400  }
0x17: {  	[sflag:s10] =	ssyncset.done $0x0  }
0x18: {  	s18 =	simm.s32 $0x0;
	s19 =	simm.s32 $0x200;
	[sflag:s10] =	ssyncadd.s32 $0xFFFFFC00  }
.LBB2_2:
0x19: {  	p0 =	sne.s32 s19, $0xFE00;
	[tilespmem:s18+$0x70] =	vst v2  }
0x1a: {  	[tilespmem:s18+$0x0] =	vst v2  }
0x1b: {  	[tilespmem:s18+$0x10] =	vst v2  }
.Ltmp2:
0x1c: {  	[tilespmem:s18+$0x20] =	vst v2;
	(pc) =	sbr.rel @p0 .LBB2_2-.Ltmp2, $4  }
0x1d: {  	[tilespmem:s18+$0x30] =	vst v2  }
0x1e: {  	[tilespmem:s18+$0x40] =	vst v2  }
0x1f: {  	[tilespmem:s18+$0x50] =	vst v2  }
0x20: {  	[tilespmem:s18+$0x60] =	vst v2;
	s18 =	sshra.s32 s19, $0x2;
	s19 =	sadd.s32 $0x200, s19  }
0x21: {  	[tilespmem:s18+$0x70] =	vst v2  }
0x22: {  	[tilespmem:s18+$0x0] =	vst v2  }
0x23: {  	[tilespmem:s18+$0x10] =	vst v2  }
0x24: {  	[tilespmem:s18+$0x20] =	vst v2  }
0x25: {  	[tilespmem:s18+$0x30] =	vst v2  }
0x26: {  	[tilespmem:s18+$0x40] =	vst v2  }
0x27: {  	[tilespmem:s18+$0x50] =	vst v2  }
0x28: {  	[tilespmem:s18+$0x60] =	vst v2;
	s19 =	sadd.s32 $0x0, s8  }
0x29: {  	[hbm4b:s19+s11] =	stream.strided.scatter [tilespmem:s3], [sflag:$0x1], $0x4000, s12, s11, $0x38;
	[tilespmem:$0x4700] =	vst v63  }
0x2a: {  	s25 =	sadd.s32 $0x187000, s19  }
0x2b: {  	[hbm4b:s25+s11] =	stream.strided.scatter [tilespmem:s3], [sflag:$0x1], $0x4000, s12, s11, $0x38;
	[tilespmem:$0x4700] =	vst v63  }
0x2c: {  	s26 =	sadd.s32 $0x30E000, s19  }
0x2d: {  	[hbm4b:s26+s11] =	stream.strided.scatter [tilespmem:s3], [sflag:$0x1], $0x4000, s12, s11, $0x38;
	[tilespmem:$0x4700] =	vst v63  }
0x2e: {  	s28 =	sadd.s32 $0x495000, s19  }
0x2f: {  	[hbm4b:s28+s11] =	stream.strided.scatter [tilespmem:s3], [sflag:$0x1], $0x4000, s12, s11, $0x38;
	[tilespmem:$0x4700] =	vst v63  }
0x30: {  	p0 =	sne.s32 s7, $0x80;
	s29 =	sadd.s32 $0x61C000, s19  }
0x31: {  	[hbm4b:s29+s11] =	stream.strided.scatter [tilespmem:s3], [sflag:$0x1], $0x4000, s12, s11, $0x38;
	[tilespmem:$0x4700] =	vst v63  }
.Ltmp3:
0x32: {  	_ = 	snop;
	(pc) =	sbr.rel @!p0 .LBB2_5-.Ltmp3, $4  }
0x33: {  	s30 =	sadd.s32 $0x7A3000, s19  }
0x34: {  	[hbm4b:s30+s11] =	stream.strided.scatter [tilespmem:s3], [sflag:$0x1], $0x4000, s12, s11, $0x38;
	[tilespmem:$0x4700] =	vst v63  }
0x35: {  	s18 =	simm.s32 $0x80;
	s31 =	sadd.s32 $0x92A000, s19;
	s19 =	sadd.s32 $0xAB1000, s19  }
0x36: {  	[hbm4b:s31+s11] =	stream.strided.scatter [tilespmem:s3], [sflag:$0x1], $0x4000, s12, s11, $0x38;
	[tilespmem:$0x4700] =	vst v63  }
.LBB2_4:
0x37: {  	[hbm4b:s19+s11] =	stream.strided.scatter [tilespmem:s3], [sflag:$0x1], $0x4000, s12, s11, $0x38;
	[tilespmem:$0x4700] =	vst v63  }
0x38: {  	s19 =	sadd.s32 s18, s8;
	s18 =	sadd.s32 $0x80, s18  }
0x39: {  	[hbm4b:s19+s11] =	stream.strided.scatter [tilespmem:s3], [sflag:$0x1], $0x4000, s12, s11, $0x38;
	[tilespmem:$0x4700] =	vst v63  }
0x3a: {  	s20 =	sadd.s32 $0x187000, s19;
	p0 =	sne.s32 s7, s18  }
0x3b: {  	[hbm4b:s20+s11] =	stream.strided.scatter [tilespmem:s3], [sflag:$0x1], $0x4000, s12, s11, $0x38;
	[tilespmem:$0x4700] =	vst v63  }
0x3c: {  	s20 =	sadd.s32 $0x30E000, s19  }
0x3d: {  	[hbm4b:s20+s11] =	stream.strided.scatter [tilespmem:s3], [sflag:$0x1], $0x4000, s12, s11, $0x38;
	[tilespmem:$0x4700] =	vst v63  }
0x3e: {  	s20 =	sadd.s32 $0x495000, s19  }
0x3f: {  	[hbm4b:s20+s11] =	stream.strided.scatter [tilespmem:s3], [sflag:$0x1], $0x4000, s12, s11, $0x38;
	[tilespmem:$0x4700] =	vst v63  }
0x40: {  	s20 =	sadd.s32 $0x61C000, s19  }
0x41: {  	[hbm4b:s20+s11] =	stream.strided.scatter [tilespmem:s3], [sflag:$0x1], $0x4000, s12, s11, $0x38;
	[tilespmem:$0x4700] =	vst v63  }
.Ltmp4:
0x42: {  	s20 =	sadd.s32 $0x7A3000, s19;
	(pc) =	sbr.rel @p0 .LBB2_4-.Ltmp4, $4  }
0x43: {  	[hbm4b:s20+s11] =	stream.strided.scatter [tilespmem:s3], [sflag:$0x1], $0x4000, s12, s11, $0x38;
	[tilespmem:$0x4700] =	vst v63  }
0x44: {  	s20 =	sadd.s32 $0x92A000, s19  }
0x45: {  	[hbm4b:s20+s11] =	stream.strided.scatter [tilespmem:s3], [sflag:$0x1], $0x4000, s12, s11, $0x38;
	[tilespmem:$0x4700] =	vst v63  }
0x46: {  	s19 =	sadd.s32 $0xAB1000, s19  }
.LBB2_5:
0x47: {  	[hbm4b:s19+s11] =	stream.strided.scatter [tilespmem:s3], [sflag:$0x1], $0x4000, s12, s11, $0x38;
	[tilespmem:$0x4700] =	vst v63  }
0x48: {  	_ =	swait.ge [sflag:s13], $0x4000  }
0x49: {  	[sflag:s13] =	ssyncset.done $0x0  }
0x4a: {  	[sflag:s13] =	ssyncadd.s32 $0xFFFFC000  }
0x4b: {  	_ =	swait.ge [sflag:s13], $0x4000  }
0x4c: {  	[sflag:s13] =	ssyncset.done $0x0  }
0x4d: {  	[sflag:s13] =	ssyncadd.s32 $0xFFFFC000  }
0x4e: {  	_ =	swait.ge [sflag:s13], $0x4000  }
0x4f: {  	[sflag:s13] =	ssyncset.done $0x0  }
0x50: {  	[sflag:s13] =	ssyncadd.s32 $0xFFFFC000  }
0x51: {  	_ =	swait.ge [sflag:s13], $0x4000  }
0x52: {  	[sflag:s13] =	ssyncset.done $0x0  }
0x53: {  	[sflag:s13] =	ssyncadd.s32 $0xFFFFC000  }
0x54: {  	_ =	swait.ge [sflag:s13], $0x4000  }
0x55: {  	[sflag:s13] =	ssyncset.done $0x0  }
0x56: {  	[sflag:s13] =	ssyncadd.s32 $0xFFFFC000  }
0x57: {  	_ =	swait.ge [sflag:s13], $0x4000  }
0x58: {  	[sflag:s13] =	ssyncset.done $0x0  }
0x59: {  	p0 =	sne.s32 s5, $0x1;
	[sflag:s13] =	ssyncadd.s32 $0xFFFFC000  }
.Ltmp5:
0x5a: {  	_ =	swait.ge [sflag:s13], $0x4000;
	(pc) =	sbr.rel @!p0 .LBB2_7-.Ltmp5, $4  }
0x5b: {  	[sflag:s13] =	ssyncset.done $0x0  }
0x5c: {  	[sflag:s13] =	ssyncadd.s32 $0xFFFFC000  }
0x5d: {  	_ =	swait.ge [sflag:s13], $0x4000  }
0x5e: {  	s18 =	sadd.s32 $0xFFFFFFFF, s5;
	[sflag:s13] =	ssyncset.done $0x0  }
.LBB2_6:
0x5f: {  	p0 =	sne.s32 s18, $0x1;
	s18 =	sadd.s32 $0xFFFFFFFF, s18;
	[sflag:s13] =	ssyncadd.s32 $0xFFFFC000  }
0x60: {  	_ =	swait.ge [sflag:s13], $0x4000  }
0x61: {  	[sflag:s13] =	ssyncset.done $0x0  }
0x62: {  	[sflag:s13] =	ssyncadd.s32 $0xFFFFC000  }
0x63: {  	_ =	swait.ge [sflag:s13], $0x4000  }
0x64: {  	[sflag:s13] =	ssyncset.done $0x0  }
0x65: {  	[sflag:s13] =	ssyncadd.s32 $0xFFFFC000  }
0x66: {  	_ =	swait.ge [sflag:s13], $0x4000  }
0x67: {  	[sflag:s13] =	ssyncset.done $0x0  }
0x68: {  	[sflag:s13] =	ssyncadd.s32 $0xFFFFC000  }
0x69: {  	_ =	swait.ge [sflag:s13], $0x4000  }
0x6a: {  	[sflag:s13] =	ssyncset.done $0x0  }
0x6b: {  	[sflag:s13] =	ssyncadd.s32 $0xFFFFC000  }
0x6c: {  	_ =	swait.ge [sflag:s13], $0x4000  }
0x6d: {  	[sflag:s13] =	ssyncset.done $0x0  }
0x6e: {  	[sflag:s13] =	ssyncadd.s32 $0xFFFFC000  }
0x6f: {  	_ =	swait.ge [sflag:s13], $0x4000  }
0x70: {  	[sflag:s13] =	ssyncset.done $0x0  }
0x71: {  	[sflag:s13] =	ssyncadd.s32 $0xFFFFC000  }
.Ltmp6:
0x72: {  	_ =	swait.ge [sflag:s13], $0x4000;
	(pc) =	sbr.rel @p0 .LBB2_6-.Ltmp6, $4  }
0x73: {  	[sflag:s13] =	ssyncset.done $0x0  }
0x74: {  	[sflag:s13] =	ssyncadd.s32 $0xFFFFC000  }
0x75: {  	_ =	swait.ge [sflag:s13], $0x4000  }
0x76: {  	[sflag:s13] =	ssyncset.done $0x0  }
.LBB2_7:
.Ltmp7:
0x77: {  	(pc) =	sbr.rel .LBB2_8-.Ltmp7, $2  }
0x78: {  	_ =	sdelay $0x2  }
0x79: {  	[sflag:s13] =	ssyncadd.s32 $0xFFFFC000;
	s18 =	simm.s32 $0x0;
	s19 =	simm.s32 $0x0  }
.LBB2_14:
0x7a: {  	s19 =	sadd.s32 $0x1, s19  }
0x7b: {  	p0 =	sne.s32 s19, $0x40  }
.Ltmp8:
0x7c: {  	_ = 	snop;
	(pc) =	sbr.rel @!p0 .LBB2_15-.Ltmp8, $1  }
0x7d: {  	_ =	sdelay $0x3  }
.LBB2_8:
0x7e: {  	s20 =	sshll.u32 s19, $0x4  }
0x7f: {  	v4 =	vld [tilespmem:s20+$0x4000];
	_ =	sdelay $0x4  }
0x80: {  	vm0 =	vge.s32 v4, v0;
	vm1 =	vlt.s32 v4, v1  }
0x81: {  	vm15 =	vne.s32 v4, $0x0;
	vm0 =	vmand vm0, vm1  }
0x82: {  	vm0 =	vmand vm15, vm0  }
0x83: {  	v5 =	vmpcnt.ones.xlane vm0;
	_ =	sdelay $0x1  }
0x84: {  	v5 =	vxor.u32 $0x80000000, v5  }
0x85: {  	(xrf0) =	vmax.scan.msk.u32 $0xffff, v5;
	_ =	sdelay $0x5  }
0x86: {  	v5, _, _ =	vpop (xrf0)  }
0x87: {  	(v2sf) =	vpush v5, $0xF;
	_ =	sdelay $0xe  }
0x88: {  	s21 =	spop (v2sf)  }
0x89: {  	v5 =	vor.u32 s20, v3;
	s20 =	sxor.u32 $0x80000000, s21  }
0x8a: {  	p0 =	slt.s32 s20, $0x1  }
.Ltmp9:
0x8b: {  	_ = 	snop;
	(pc) =	sbr.rel @p0 .LBB2_14-.Ltmp9, $3  }
0x8c: {  	_ =	sdelay $0x1  }
0x8d: {  	[tilespmem:s14+$0x0] =	vst.msk vm0, v5  }
0x8e: {  	[tilespmem:s15+$0x0] =	vst.msk vm0, v4  }
0x8f: {  	v5 =	vld [tilespmem:$0x4480]  }
0x90: {  	v4 =	vld [tilespmem:$0x4400]  }
.Ltmp10:
0x91: {  	_ = 	snop;
	(pc) =	sbr.rel .LBB2_10-.Ltmp10, $2  }
0x92: {  	_ =	sdelay $0x2  }
0x93: {  	s21 =	simm.s32 $0x0;
	v4 =	vxor.u32 $0x80000000, v4;
	v5 =	vxor.u32 $0x80000000, v5  }
.LBB2_12:
0x94: {  	s25 =	sand.u32 $0x7F, s25  }
0x95: {  	[tilespmem:$0x4500] =	vst v8;
	p1 =	seq.s32 s28, $0x3;
	p3 =	seq.s32 s28, $0x4;
	p4 =	sne.s32 s25, $0x0  }
0x96: {  	v62 =	vpsel !p2, $0x0, v6;
	[tilespmem:$0x4510] =	vst v7;
	s24 =	sshrl.u32 s24, $0x19;
	s26 =	sshrl.u32 s26, $0x3;
	p0 =	por !p4, !p0  }
0x97: {  	v7 =	vpsel !p1, $0x0, v6;
	[tilespmem:$0x4520] =	vst v62;
	s24 =	sadd.s32 s24, s22;
	s25 =	simm.s32 $0x1;
	p0 =	por !p0, !p0  }
0x98: {  	v63 =	vpsel !p3, $0x0, v6;
	p4 =	seq.s32 s28, $0x5;
	[tilespmem:$0x4530] =	vst v7;
	s24 =	sshrl.u32 s24, $0x7;
	s25 =	simm.s32 @!p0 $0x0  }
0x99: {  	p5 =	seq.s32 s28, $0x6;
	s26 =	smul.u32 $0xC3800, s26;
	[tilespmem:$0x4540] =	vst v63;
	v7 =	vpsel !p4, $0x0, v6;
	s24 =	ssub.s32 s24, s25  }
0x9a: {  	p6 =	seq.s32 s28, $0x7;
	s23 =	sshll.u32 s23, $0x7;
	[tilespmem:$0x4550] =	vst v7;
	v7 =	vpsel !p5, $0x0, v6;
	s24 =	sshll.u32 s24, $0xA  }
0x9b: {  	s23 =	sand.u32 $0x380, s23;
	v6 =	vpsel !p6, $0x0, v6;
	[tilespmem:$0x4560] =	vst v7;
	s24 =	sadd.s32 s26, s24  }
0x9c: {  	[tilespmem:$0x4570] =	vst v6;
	s24 =	sor.u32 s23, s24;
	s23 =	simm.s32 $0x4500  }
.LBB2_13:
0x9d: {  	p0 =	slt.s32 s22, $0x18680;
	s22 =	simm.s32 $0x1;
	s21 =	sadd.s32 $0x1, s21  }
0x9e: {  	s22 =	simm.s32 @!p0 $0x0;
	p0 =	sne.s32 s20, s21  }
.Ltmp11:
0x9f: {  	_ = 	snop;
	(pc) =	sbr.rel @!p0 .LBB2_14-.Ltmp11, $4  }
0xa0: {  	s24 =	sshrl.u32 s24, $0x3  }
0xa1: {  	s24 =	sadd.s32 s4, s24  }
0xa2: {  	[hbm4b:s24+s3] =	stream.linear.scatter [tilespmem:s23], [sflag:$0x2], $0x80, $0x38;
	[tilespmem:$0x4700] =	vst v63  }
0xa3: {  	s18 =	sadd.s32 s22, s18  }
.LBB2_10:
0xa4: {  	v6 =	vmov s21  }
0xa5: {  	vm0 =	veq.s32 v6, v3  }
0xa6: {  	v6 =	vnsel vm0, $0x80000000, v4  }
0xa7: {  	(xrf0) =	vmax.scan.msk.u32 $0xffff, v6;
	v6 =	vnsel vm0, $0x80000000, v5  }
0xa8: {  	(xrf0) =	vmax.scan.msk.u32 $0xffff, v6;
	_ =	sdelay $0x4  }
0xa9: {  	v6, _, _ =	vpop (xrf0)  }
0xaa: {  	(v2sf) =	vpush v6, $0xF;
	v6, _, _ =	vpop (xrf0)  }
0xab: {  	(v2sf) =	vpush v6, $0xF;
	_ =	sdelay $0xd  }
0xac: {  	s23 =	spop (v2sf)  }
0xad: {  	s25 =	spop (v2sf)  }
0xae: {  	s22 =	sxor.u32 $0x80000000, s25  }
0xaf: {  	s24 =	sshra.s32 s22, $0x1F  }
0xb0: {  	s26 =	sshrl.u32 s24, $0x1C  }
0xb1: {  	s26 =	sadd.s32 s26, s22  }
0xb2: {  	p1 =	sgt.s32 s25, $0xFFFFFFFF;
	p0 =	slt.s32 s22, $0x1;
	s28 =	sand.u32 $0xFFFFFFF0, s26  }
0xb3: {  	p0 =	por p1, p0;
	p6 =	sne.s32 s22, s28  }
0xb4: {  	p1 =	por !p0, !p6  }
0xb5: {  	s29 =	simm.s32 $0x1;
	p1 =	por !p1, !p1  }
0xb6: {  	s26 =	sshra.s32 s26, $0x4;
	s29 =	simm.s32 @!p1 $0x0  }
0xb7: {  	s26 =	ssub.s32 s26, s29;
	s29 =	sshra.s32 s18, $0x1F  }
0xb8: {  	s29 =	sshrl.u32 s29, $0x1E  }
0xb9: {  	s29 =	sadd.s32 s29, s18  }
0xba: {  	s29 =	sand.u32 $0xFFFFFFFC, s29  }
0xbb: {  	s29 =	ssub.s32 s18, s29  }
0xbc: {  	s28 =	ssub.s32 s22, s28;
	s30 =	sshrl.u32 s26, $0x1D;
	p3 =	slt.s32 s29, $0x1  }
.Ltmp12:
0xbd: {  	p1 =	slt.s32 s18, $0x4;
	s30 =	sadd.s32 s30, s26;
	(pc) =	sbr.rel @p3 .LBB2_12-.Ltmp12, $4  }
0xbe: {  	v6 =	vmov s28;
	s31 =	simm.s32 @!p1 $0x2;
	s28 =	sand.u32 $0xFFFFFFF8, s30  }
0xbf: {  	vm15 =	veq.s32 v6, v3;
	_ =	swait.ge @!p1 [sflag:s31], $0x80;
	s28 =	ssub.s32 s26, s28  }
0xc0: {  	v6 =	vsel vm15, $0x3F800000, v2;
	[sflag:s31] =	ssyncset.done @!p1 $0x0;
	p2 =	seq.s32 s28, $0x0;
	p4 =	seq.s32 s28, $0x1  }
0xc1: {  	[sflag:s31] =	ssyncadd.s32 @!p1 $0xFFFFFF80;
	s26 =	sxor.u32 $0x80000000, s23;
	v8 =	vpsel !p2, $0x0, v6;
	v7 =	vpsel !p4, $0x0, v6;
	p2 =	seq.s32 s28, $0x2  }
0xc2: {  	p1 =	seq.s32 s29, $0x1  }
0xc3: {  	[tilespmem:$0x4580] =	vst @p1 v8  }
0xc4: {  	v9 =	vpsel !p2, $0x0, v6;
	p6 =	seq.s32 s28, $0x3;
	[tilespmem:$0x4590] =	vst @p1 v7  }
0xc5: {  	p3 =	seq.s32 s28, $0x4;
	v10 =	vpsel !p6, $0x0, v6;
	[tilespmem:$0x45A0] =	vst @p1 v9  }
0xc6: {  	p4 =	seq.s32 s28, $0x5;
	v11 =	vpsel !p3, $0x0, v6;
	[tilespmem:$0x45B0] =	vst @p1 v10  }
0xc7: {  	p5 =	seq.s32 s28, $0x6;
	v12 =	vpsel !p4, $0x0, v6;
	[tilespmem:$0x45C0] =	vst @p1 v11  }
0xc8: {  	v13 =	vpsel !p5, $0x0, v6;
	p6 =	seq.s32 s28, $0x7;
	[tilespmem:$0x45D0] =	vst @p1 v12  }
0xc9: {  	p3 =	seq.s32 @!p1 s29, $0x2;
	v6 =	vpsel !p6, $0x0, v6;
	[tilespmem:$0x45E0] =	vst @p1 v13  }
0xca: {  	p2 =	por !p3, p1;
	[tilespmem:$0x45F0] =	vst @p1 v6  }
0xcb: {  	[tilespmem:$0x4600] =	vst @!p2 v8  }
0xcc: {  	[tilespmem:$0x4610] =	vst @!p2 v7  }
0xcd: {  	[tilespmem:$0x4620] =	vst @!p2 v9  }
0xce: {  	[tilespmem:$0x4630] =	vst @!p2 v10  }
0xcf: {  	[tilespmem:$0x4640] =	vst @!p2 v11  }
0xd0: {  	[tilespmem:$0x4650] =	vst @!p2 v12  }
0xd1: {  	[tilespmem:$0x4660] =	vst @!p2 v13  }
0xd2: {  	s25 =	sand.u32 $0x7F, s25;
	p3 =	por p3, p1;
	[tilespmem:$0x4670] =	vst @!p2 v6  }
0xd3: {  	p4 =	sne.s32 s25, $0x0;
	[tilespmem:$0x4680] =	vst @!p3 v8  }
0xd4: {  	s24 =	sshrl.u32 s24, $0x19;
	s26 =	sshrl.u32 s26, $0x3;
	p0 =	por !p4, !p0;
	[tilespmem:$0x4690] =	vst @!p3 v7  }
0xd5: {  	s24 =	sadd.s32 s24, s22;
	s25 =	simm.s32 $0x1;
	p0 =	por !p0, !p0;
	[tilespmem:$0x46A0] =	vst @!p3 v9  }
.Ltmp13:
0xd6: {  	s24 =	sshrl.u32 s24, $0x7;
	[tilespmem:$0x46B0] =	vst @!p3 v10;
	s25 =	simm.s32 @!p0 $0x0;
	(pc) =	sbr.rel .LBB2_13-.Ltmp13, $4  }
0xd7: {  	s26 =	smul.u32 $0xC3800, s26;
	[tilespmem:$0x46C0] =	vst @!p3 v11;
	s24 =	ssub.s32 s24, s25  }
0xd8: {  	s31 =	sshll.u32 s23, $0x7;
	s23 =	simm.s32 @!p2 $0x4600;
	[tilespmem:$0x46D0] =	vst @!p3 v12;
	s24 =	sshll.u32 s24, $0xA  }
0xd9: {  	[tilespmem:$0x46E0] =	vst @!p3 v13;
	s23 =	simm.s32 @p2 $0x4680;
	s25 =	sand.u32 $0x380, s31;
	s24 =	sadd.s32 s26, s24  }
0xda: {  	[tilespmem:$0x46F0] =	vst @!p3 v6;
	s23 =	simm.s32 @p1 $0x4580;
	s24 =	sor.u32 s25, s24  }
.LBB2_15:
0xdb: {  	p0 =	slt.s32 s18, $0x1  }
.Ltmp14:
0xdc: {  	_ = 	snop;
	(pc) =	sbr.rel @p0 .LBB2_19-.Ltmp14, $1  }
0xdd: {  	_ =	sdelay $0x3  }
0xde: {  	p0 =	slt.s32 s18, $0x4  }
0xdf: {  	s18 =	simm.s32 @!p0 $0x4  }
0xe0: {  	p0 =	sne.s32 s18, $0x1  }
.Ltmp15:
0xe1: {  	_ = 	snop;
	(pc) =	sbr.rel @!p0 .LBB2_18-.Ltmp15, $3  }
0xe2: {  	_ =	sdelay $0x1  }
0xe3: {  	_ =	swait.ge [sflag:s16], $0x80  }
0xe4: {  	[sflag:s16] =	ssyncset.done $0x0;
	s18 =	sadd.s32 $0xFFFFFFFF, s18  }
.LBB2_17:
0xe5: {  	p0 =	sne.s32 s18, $0x1;
	s18 =	sadd.s32 $0xFFFFFFFF, s18;
	[sflag:s16] =	ssyncadd.s32 $0xFFFFFF80  }
.Ltmp16:
0xe6: {  	(pc) =	sbr.rel @p0 .LBB2_17-.Ltmp16, $3  }
0xe7: {  	_ =	sdelay $0x1  }
0xe8: {  	_ =	swait.ge [sflag:s16], $0x80  }
0xe9: {  	[sflag:s16] =	ssyncset.done $0x0  }
.Ltmp17:
0xea: {  	_ = 	snop;
	(pc) =	sbr.rel .LBB2_18-.Ltmp17, $1  }
0xeb: {  	_ =	sdelay $0x3  }
.LBB2_20:
0xec: {  	_ =	sfence.sel $0x180000  }
0xed: {  	[bflag:$0x0] =	sbarrier.arrive $0xFFFF  }
0xee: {  	p0 =	sne.s32 s2, $0x0;
	_ =	strace $0x90000047  }
0xef: {  	s0 =	sadd.s32 @!p0 $0x100000, s0;
	[bflag:$0x2] =	sbarrier.arrive $0xFFFF  }
0xf0: {  	[sflag:s0] =	ssyncadd.tile.s32 @!p0 $0x1;
	_ =	shalt  }
.Lfunc_end2:
_tile_overlayer_lowered:
.L_overlay_start_2:
0xf1: {  	(tag) =	ssettag $0x2  }
0xf2: {  	s0 =	rddreg [dreg:$0x0];
	s2 =	stileid.u32  }
0xf3: {  	s1 =	rddreg [dreg:$0x1];
	p0 =	sne.s32 s2, $0x0  }
0xf4: {  	s3 =	rddreg [dreg:$0x2];
	[bflag:$0x3] =	sbarrier.arrive $0xFFFF;
	s2 =	simm.s32 @!p0 $0x1C03  }
0xf5: {  	[timem:s3], [sflag:s2] =	dma.local @!p0 [hbm:s0], s1  }
0xf6: {  	s0 =	simm.s32 @!p0 $0x3  }
0xf7: {  	_ =	swait.ge @!p0 [sflag:s0], s1  }
0xf8: {  	s1 =	ssub.s32 @!p0 $0x0, s1;
	[sflag:s0] =	ssyncset.done @!p0 $0x0  }
0xf9: {  	[sflag:s0] =	ssyncadd.s32 @!p0 s1  }
0xfa: {  	[bflag:$0x3] =	sbarrier.arrive $0xFFFF  }
0xfb: {  	_ =	shalt  }

</sc_bundles>
